<compile_context>
chip_gen: v7x
topology: tpu7x:2x2x1
jax: 0.10.2.dev20260603
libtpu: 0.0.44.dev20260713+nightly
codegen_flags: <defaults>
</compile_context>

<pallas_src>
import functools

import jax
import jax.numpy as jnp
from jax import lax
from jax.experimental import pallas as pl
from jax.experimental.pallas import tpu as pltpu
from jax.experimental.pallas import tpu_sc as plsc

N_NODES = 10000
N_EDGES = 320000
D = 128
NUM_RELS = 16
NUM_BASES = 2

NW = 32
BATCH = 128
NBLK = 79
E_PAD = NW * NBLK * BATCH
NACC = 10240
ROWS_PER_TILE = NACC // 16
TRASH_ROW = N_NODES
BLK = 2000
NRB = N_NODES // BLK


def _expand_body(coeff_ref, feat_ref, w_ref, lw_ref, b_ref, out_ref):
    r = pl.program_id(0)
    f = feat_ref[...]

    @pl.when(r < NUM_RELS)
    def _():
        wr = coeff_ref[r, 0] * w_ref[0]
        for b in range(1, NUM_BASES):
            wr += coeff_ref[r, b] * w_ref[b]
        out_ref[...] = jnp.dot(f, wr, preferred_element_type=jnp.float32)

    @pl.when(r == NUM_RELS)
    def _():
        out_ref[...] = (
            jnp.dot(f, w_ref[NUM_BASES] + lw_ref[...],
                    preferred_element_type=jnp.float32)
            + b_ref[...]
        )


def _expand(feat, coeff, w, lw, bias):
    return pl.pallas_call(
        _expand_body,
        grid=(NUM_RELS + 1, NRB),
        in_specs=[
            pl.BlockSpec(memory_space=pltpu.SMEM),
            pl.BlockSpec((BLK, D), lambda r, n: (n, 0)),
            pl.BlockSpec((NUM_BASES + 1, D, D), lambda r, n: (0, 0, 0)),
            pl.BlockSpec((D, D), lambda r, n: (0, 0)),
            pl.BlockSpec((1, D), lambda r, n: (0, 0)),
        ],
        out_specs=pl.BlockSpec((BLK, D), lambda r, n: (r * NRB + n, 0)),
        out_shape=jax.ShapeDtypeStruct(((NUM_RELS + 1) * N_NODES, D),
                                       jnp.float32),
    )(coeff, feat, w, lw, bias)


@functools.partial(
    pl.kernel,
    out_type=jax.ShapeDtypeStruct((2, NACC, D), jnp.float32),
    mesh=plsc.VectorSubcoreMesh(core_axis_name="c", subcore_axis_name="s"),
    scratch_types=[
        pltpu.VMEM((BATCH,), jnp.int32),
        pltpu.VMEM((BATCH,), jnp.int32),
        pltpu.VMEM((BATCH,), jnp.int32),
        pltpu.VMEM((BATCH,), jnp.int32),
        pltpu.VMEM((BATCH, D), jnp.float32),
        pltpu.VMEM_SHARED((NACC, D), jnp.float32),
        pltpu.SemaphoreType.DMA,
    ],
)
def _sc_edges(xflat, srcp, dstp, etp, zrows, out,
              src_v, dst_v, et_v, gidx_v, rows_v, acc, sem):
    i32 = jnp.int32
    c = lax.axis_index("c").astype(i32)
    s = lax.axis_index("s").astype(i32)
    wid = s * i32(2) + c
    tile_row0 = s * i32(ROWS_PER_TILE)

    for k in range(ROWS_PER_TILE // BATCH):
        pltpu.sync_copy(zrows, acc.at[pl.ds(tile_row0 + i32(k * BATCH), BATCH)])
    plsc.subcore_barrier()

    def body(b, carry):
        off = wid * i32(NBLK * BATCH) + b * i32(BATCH)
        pltpu.sync_copy(srcp.at[pl.ds(off, BATCH)], src_v)
        pltpu.sync_copy(dstp.at[pl.ds(off, BATCH)], dst_v)
        pltpu.sync_copy(etp.at[pl.ds(off, BATCH)], et_v)
        for j in range(BATCH // 16):
            sl = pl.ds(j * 16, 16)
            gidx_v[sl] = et_v[sl] * i32(N_NODES) + src_v[sl]
        pltpu.async_copy(xflat.at[gidx_v], rows_v, sem).wait()
        pltpu.sync_copy(rows_v, acc.at[dst_v], add=True)
        return carry

    lax.fori_loop(i32(0), i32(NBLK), body, i32(0))
    plsc.subcore_barrier()
    pltpu.sync_copy(acc.at[pl.ds(tile_row0, ROWS_PER_TILE)],
                    out.at[c, pl.ds(tile_row0, ROWS_PER_TILE)])


def _final_body(p0_ref, p1_ref, s_ref, out_ref):
    out_ref[...] = p0_ref[0] + p1_ref[0] + s_ref[...]


def _final(partials, xflat):
    return pl.pallas_call(
        _final_body,
        grid=(NRB,),
        in_specs=[
            pl.BlockSpec((1, BLK, D), lambda n: (0, n, 0)),
            pl.BlockSpec((1, BLK, D), lambda n: (1, n, 0)),
            pl.BlockSpec((BLK, D), lambda n: (NUM_RELS * NRB + n, 0)),
        ],
        out_specs=pl.BlockSpec((BLK, D), lambda n: (n, 0)),
        out_shape=jax.ShapeDtypeStruct((N_NODES, D), jnp.float32),
    )(partials, partials, xflat)


def kernel(feat, edge_index, etypes, coeff, W, h_bias, loop_weight):
    feat = feat.astype(jnp.float32)
    src = edge_index[0].astype(jnp.int32)
    dst = edge_index[1].astype(jnp.int32)
    et = etypes.astype(jnp.int32)

    with jax.enable_x64(False):
        pad = E_PAD - N_EDGES
        src_p = jnp.concatenate([src, jnp.zeros((pad,), jnp.int32)])
        dst_p = jnp.concatenate([dst, jnp.full((pad,), TRASH_ROW, jnp.int32)])
        et_p = jnp.concatenate([et, jnp.zeros((pad,), jnp.int32)])

        xflat = _expand(feat, coeff.astype(jnp.float32),
                        W.astype(jnp.float32),
                        loop_weight.astype(jnp.float32),
                        h_bias.astype(jnp.float32).reshape(1, D))
        zrows = jnp.zeros((BATCH, D), jnp.float32)
        partials = _sc_edges(xflat, src_p, dst_p, et_p, zrows)
        out = _final(partials, xflat)
    return out.astype(jnp.float64)

# --- scband reference (transcript-rebuilt; emitter-appended) ---
"""Pipeline reference for scband-rgcn-conv-3728031613523 (READ-ONLY COPY).

The authoritative reference and input builder live on the scoring server;
editing this copy changes nothing except your own understanding.
"""

import jax, jax.numpy as jnp
import numpy as np
jax.config.update('jax_enable_x64', True)


def setup_inputs(seed: int = 0) -> dict:
    key = jax.random.key(seed)
    k1, k2, k3, k4, k5, k6 = jax.random.split(key, 6)
    n_nodes = 10000
    n_edges = 320000
    in_feat = 128
    out_feat = 128
    num_rels = 16
    num_bases = 2
    feat = jax.random.normal(k1, (n_nodes, in_feat), dtype=jnp.float32)
    edge_index = jax.random.randint(k2, (2, n_edges), 0, n_nodes, dtype=jnp.int64)
    etypes = jax.random.randint(k3, (n_edges,), 0, num_rels, dtype=jnp.int64)
    # parameters per RgcnConv.__init__ (basis regularizer)
    bound = 1.0 / np.sqrt(in_feat)
    W = jax.random.uniform(k4, (num_bases + 1, in_feat, out_feat), minval=-bound, maxval=bound, dtype=jnp.float32)
    coeff = jax.random.normal(k5, (num_rels, num_bases), dtype=jnp.float32) * (1.0 / np.sqrt(num_rels))
    h_bias = jnp.zeros((out_feat,), dtype=jnp.float32)
    loop_weight = jax.random.normal(k6, (in_feat, out_feat), dtype=jnp.float32) * (1.0 / np.sqrt(in_feat))
    return {
        'feat': feat,
        'edge_index': edge_index,
        'etypes': etypes,
        'coeff': coeff,
        'W': W,
        'h_bias': h_bias,
        'loop_weight': loop_weight,
    }


def reference(feat, edge_index, etypes, coeff, W, h_bias, loop_weight):
    # R-GCN with basis decomposition (agg_hg_basis_post semantics):
    # for each basis b: agg_b[v] = sum_{e=(u->v)} coeff[etype(e), b] * feat[u]
    # agg_out[v] = concat(agg_0[v], ..., agg_{B-1}[v], feat[v])  (leading dim (B+1)*in_feat)
    # output = agg_out @ W.reshape((B+1)*in_feat, out_feat)
    n_nodes, in_feat = feat.shape
    num_bases = coeff.shape[1]
    out_feat = W.shape[-1]
    src = edge_index[0]
    dst = edge_index[1]
    ew = jnp.take(coeff, etypes, axis=0)            # [E, B]
    msgs = jnp.take(feat, src, axis=0)              # [E, d]  (gather)
    weighted = (ew[:, :, None] * msgs[:, None, :]).reshape(msgs.shape[0], num_bases * in_feat)  # [E, B*d]
    agg = jax.ops.segment_sum(weighted, dst, num_segments=n_nodes)  # [N, B*d] (scatter-add)
    agg_out = jnp.concatenate([agg, feat], axis=1)  # [N, (B+1)*d]
    output = agg_out @ W.reshape((num_bases + 1) * in_feat, out_feat)
    # bias
    h = output + h_bias
    # self loop (full graph: dst nodes == all nodes)
    h = h + feat @ loop_weight
    # activation=None, dropout=0.0, layer_norm=False -> identity
    return h

if __name__ == "__main__":
    import jax
    _d = setup_inputs()
    print(jax.jit(kernel)(*tuple(_d.values())))

</pallas_src>

<mosaic_0001>
#map = affine_map<(d0, d1) -> (0, 0)>
#map1 = affine_map<(d0, d1) -> (0)>
#map2 = affine_map<(d0, d1) -> (0, 0, 0)>
module attributes {stable_mosaic.version = 14 : i64} {
  func.func @_sc_edges(%arg0: i32, %arg1: i32, %arg2: memref<170000x128xf32, #tpu.memory_space<hbm>>, %arg3: memref<323584xi32, #tpu.memory_space<hbm>>, %arg4: memref<323584xi32, #tpu.memory_space<hbm>>, %arg5: memref<323584xi32, #tpu.memory_space<hbm>>, %arg6: memref<128x128xf32, #tpu.memory_space<hbm>>, %arg7: memref<2x10240x128xf32, #tpu.memory_space<hbm>>, %arg8: memref<128xi32, #tpu.memory_space<vmem>>, %arg9: memref<128xi32, #tpu.memory_space<vmem>>, %arg10: memref<128xi32, #tpu.memory_space<vmem>>, %arg11: memref<128xi32, #tpu.memory_space<vmem>>, %arg12: memref<128x128xf32, #tpu.memory_space<vmem>>, %arg13: memref<10240x128xf32, #tpu.memory_space<vmem_shared>>, %arg14: memref<!tpu.dma_semaphore, #tpu.memory_space<semaphore_mem>>) attributes {dimension_semantics = [#tpu.dimension_semantics<core_parallel>, #tpu.dimension_semantics<subcore_parallel>], iteration_bounds = array<i64: 2, 16>, scalar_prefetch = 0 : i64, scratch_operands = 7 : i64, tpu.core_type = #tpu.core_type<sc_vector_subcore>, window_params = [{transform_indices = #map}, {transform_indices = #map1}, {transform_indices = #map1}, {transform_indices = #map1}, {transform_indices = #map}, {transform_indices = #map2}]} {
    %mul3A = arith.constant 2 : i32
    %mul3A_0 = arith.muli %arg1, %mul3A : i32
    %add3A = arith.addi %mul3A_0, %arg0 : i32
    %mul3A_1 = arith.constant 640 : i32
    %mul3A_2 = arith.muli %arg1, %mul3A_1 : i32
    %add3A_3 = arith.constant 0 : i32
    %add3A_4 = arith.addi %mul3A_2, %add3A_3 : i32
    "tpu.region"() ({
      %run_scoped3A = tpu.sem_alloc : memref<!tpu.dma_semaphore, #tpu.memory_space<semaphore_mem>>
      %dma_start3A = arith.constant 0 : i32
      %dma_start3A_24 = tpu.memref_slice %arg13[%add3A_4, %dma_start3A] : memref<10240x128xf32, #tpu.memory_space<vmem_shared>> -> memref<128x128xf32, #tpu.memory_space<vmem_shared>>
      tpu.enqueue_dma source(%arg6 : memref<128x128xf32, #tpu.memory_space<hbm>>) target(%dma_start3A_24 : memref<128x128xf32, #tpu.memory_space<vmem_shared>>) target_semaphore(%run_scoped3A : memref<!tpu.dma_semaphore, #tpu.memory_space<semaphore_mem>>)
      %dma_wait3A = arith.constant 0 : i32
      %dma_wait3A_25 = tpu.memref_slice %arg13[%add3A_4, %dma_wait3A] : memref<10240x128xf32, #tpu.memory_space<vmem_shared>> -> memref<128x128xf32, #tpu.memory_space<vmem_shared>>
      tpu.wait_dma2 semaphore(%run_scoped3A : memref<!tpu.dma_semaphore, #tpu.memory_space<semaphore_mem>>) src(%arg6 : memref<128x128xf32, #tpu.memory_space<hbm>>) dst(%dma_wait3A_25 : memref<128x128xf32, #tpu.memory_space<vmem_shared>>)
      tpu.yield
    }) : () -> ()
    %add3A_5 = arith.constant 128 : i32
    %add3A_6 = arith.addi %mul3A_2, %add3A_5 : i32
    "tpu.region"() ({
      %run_scoped3A = tpu.sem_alloc : memref<!tpu.dma_semaphore, #tpu.memory_space<semaphore_mem>>
      %dma_start3A = arith.constant 0 : i32
      %dma_start3A_24 = tpu.memref_slice %arg13[%add3A_6, %dma_start3A] : memref<10240x128xf32, #tpu.memory_space<vmem_shared>> -> memref<128x128xf32, #tpu.memory_space<vmem_shared>>
      tpu.enqueue_dma source(%arg6 : memref<128x128xf32, #tpu.memory_space<hbm>>) target(%dma_start3A_24 : memref<128x128xf32, #tpu.memory_space<vmem_shared>>) target_semaphore(%run_scoped3A : memref<!tpu.dma_semaphore, #tpu.memory_space<semaphore_mem>>)
      %dma_wait3A = arith.constant 0 : i32
      %dma_wait3A_25 = tpu.memref_slice %arg13[%add3A_6, %dma_wait3A] : memref<10240x128xf32, #tpu.memory_space<vmem_shared>> -> memref<128x128xf32, #tpu.memory_space<vmem_shared>>
      tpu.wait_dma2 semaphore(%run_scoped3A : memref<!tpu.dma_semaphore, #tpu.memory_space<semaphore_mem>>) src(%arg6 : memref<128x128xf32, #tpu.memory_space<hbm>>) dst(%dma_wait3A_25 : memref<128x128xf32, #tpu.memory_space<vmem_shared>>)
      tpu.yield
    }) : () -> ()
    %add3A_7 = arith.constant 256 : i32
    %add3A_8 = arith.addi %mul3A_2, %add3A_7 : i32
    "tpu.region"() ({
      %run_scoped3A = tpu.sem_alloc : memref<!tpu.dma_semaphore, #tpu.memory_space<semaphore_mem>>
      %dma_start3A = arith.constant 0 : i32
      %dma_start3A_24 = tpu.memref_slice %arg13[%add3A_8, %dma_start3A] : memref<10240x128xf32, #tpu.memory_space<vmem_shared>> -> memref<128x128xf32, #tpu.memory_space<vmem_shared>>
      tpu.enqueue_dma source(%arg6 : memref<128x128xf32, #tpu.memory_space<hbm>>) target(%dma_start3A_24 : memref<128x128xf32, #tpu.memory_space<vmem_shared>>) target_semaphore(%run_scoped3A : memref<!tpu.dma_semaphore, #tpu.memory_space<semaphore_mem>>)
      %dma_wait3A = arith.constant 0 : i32
      %dma_wait3A_25 = tpu.memref_slice %arg13[%add3A_8, %dma_wait3A] : memref<10240x128xf32, #tpu.memory_space<vmem_shared>> -> memref<128x128xf32, #tpu.memory_space<vmem_shared>>
      tpu.wait_dma2 semaphore(%run_scoped3A : memref<!tpu.dma_semaphore, #tpu.memory_space<semaphore_mem>>) src(%arg6 : memref<128x128xf32, #tpu.memory_space<hbm>>) dst(%dma_wait3A_25 : memref<128x128xf32, #tpu.memory_space<vmem_shared>>)
      tpu.yield
    }) : () -> ()
    %add3A_9 = arith.constant 384 : i32
    %add3A_10 = arith.addi %mul3A_2, %add3A_9 : i32
    "tpu.region"() ({
      %run_scoped3A = tpu.sem_alloc : memref<!tpu.dma_semaphore, #tpu.memory_space<semaphore_mem>>
      %dma_start3A = arith.constant 0 : i32
      %dma_start3A_24 = tpu.memref_slice %arg13[%add3A_10, %dma_start3A] : memref<10240x128xf32, #tpu.memory_space<vmem_shared>> -> memref<128x128xf32, #tpu.memory_space<vmem_shared>>
      tpu.enqueue_dma source(%arg6 : memref<128x128xf32, #tpu.memory_space<hbm>>) target(%dma_start3A_24 : memref<128x128xf32, #tpu.memory_space<vmem_shared>>) target_semaphore(%run_scoped3A : memref<!tpu.dma_semaphore, #tpu.memory_space<semaphore_mem>>)
      %dma_wait3A = arith.constant 0 : i32
      %dma_wait3A_25 = tpu.memref_slice %arg13[%add3A_10, %dma_wait3A] : memref<10240x128xf32, #tpu.memory_space<vmem_shared>> -> memref<128x128xf32, #tpu.memory_space<vmem_shared>>
      tpu.wait_dma2 semaphore(%run_scoped3A : memref<!tpu.dma_semaphore, #tpu.memory_space<semaphore_mem>>) src(%arg6 : memref<128x128xf32, #tpu.memory_space<hbm>>) dst(%dma_wait3A_25 : memref<128x128xf32, #tpu.memory_space<vmem_shared>>)
      tpu.yield
    }) : () -> ()
    %add3A_11 = arith.constant 512 : i32
    %add3A_12 = arith.addi %mul3A_2, %add3A_11 : i32
    "tpu.region"() ({
      %run_scoped3A = tpu.sem_alloc : memref<!tpu.dma_semaphore, #tpu.memory_space<semaphore_mem>>
      %dma_start3A = arith.constant 0 : i32
      %dma_start3A_24 = tpu.memref_slice %arg13[%add3A_12, %dma_start3A] : memref<10240x128xf32, #tpu.memory_space<vmem_shared>> -> memref<128x128xf32, #tpu.memory_space<vmem_shared>>
      tpu.enqueue_dma source(%arg6 : memref<128x128xf32, #tpu.memory_space<hbm>>) target(%dma_start3A_24 : memref<128x128xf32, #tpu.memory_space<vmem_shared>>) target_semaphore(%run_scoped3A : memref<!tpu.dma_semaphore, #tpu.memory_space<semaphore_mem>>)
      %dma_wait3A = arith.constant 0 : i32
      %dma_wait3A_25 = tpu.memref_slice %arg13[%add3A_12, %dma_wait3A] : memref<10240x128xf32, #tpu.memory_space<vmem_shared>> -> memref<128x128xf32, #tpu.memory_space<vmem_shared>>
      tpu.wait_dma2 semaphore(%run_scoped3A : memref<!tpu.dma_semaphore, #tpu.memory_space<semaphore_mem>>) src(%arg6 : memref<128x128xf32, #tpu.memory_space<hbm>>) dst(%dma_wait3A_25 : memref<128x128xf32, #tpu.memory_space<vmem_shared>>)
      tpu.yield
    }) : () -> ()
    %barrier3A = arith.constant 0 : index
    tpu.barrier barrier_id(%barrier3A)
    %while3A = arith.constant 0 : i32
    %while3A_13 = arith.constant 0 : i32
    %while3A_14 = arith.constant 79 : i32
    %while3A_15 = arith.subi %while3A_14, %while3A_13 : i32
    %while3A_16 = arith.addi %while3A_13, %while3A_15 : i32
    %while3A_17 = arith.constant 1 : i32
    %while3A_18 = arith.divsi %while3A_15, %while3A_17 : i32
    %while3A_19 = arith.muli %while3A_18, %while3A_17 : i32
    %while3A_20 = arith.addi %while3A_13, %while3A_19 : i32
    %while3A_21 = arith.constant 1 : i32
    scf.for %while3A_24 = %while3A_13 to %while3A_20 step %while3A_21  : i32 {
      %mul3A_25 = arith.constant 10112 : i32
      %mul3A_26 = arith.muli %add3A, %mul3A_25 : i32
      %mul3A_27 = arith.constant 128 : i32
      %mul3A_28 = arith.muli %while3A_24, %mul3A_27 : i32
      %add3A_29 = arith.addi %mul3A_26, %mul3A_28 : i32
      "tpu.region"() ({
        %run_scoped3A = tpu.sem_alloc : memref<!tpu.dma_semaphore, #tpu.memory_space<semaphore_mem>>
        %dma_start3A_144 = tpu.memref_slice %arg3[%add3A_29] : memref<323584xi32, #tpu.memory_space<hbm>> -> memref<128xi32, #tpu.memory_space<hbm>>
        %dma_start3A_145 = tpu.memref_slice %arg3[%add3A_29] : memref<323584xi32, #tpu.memory_space<hbm>> -> memref<128xi32, #tpu.memory_space<hbm>>
        tpu.enqueue_dma source(%dma_start3A_145 : memref<128xi32, #tpu.memory_space<hbm>>) target(%arg8 : memref<128xi32, #tpu.memory_space<vmem>>) target_semaphore(%run_scoped3A : memref<!tpu.dma_semaphore, #tpu.memory_space<semaphore_mem>>)
        %dma_wait3A_146 = tpu.memref_slice %arg3[%add3A_29] : memref<323584xi32, #tpu.memory_space<hbm>> -> memref<128xi32, #tpu.memory_space<hbm>>
        %dma_wait3A_147 = tpu.memref_slice %arg3[%add3A_29] : memref<323584xi32, #tpu.memory_space<hbm>> -> memref<128xi32, #tpu.memory_space<hbm>>
        tpu.wait_dma2 semaphore(%run_scoped3A : memref<!tpu.dma_semaphore, #tpu.memory_space<semaphore_mem>>) src(%dma_wait3A_147 : memref<128xi32, #tpu.memory_space<hbm>>) dst(%arg8 : memref<128xi32, #tpu.memory_space<vmem>>)
        tpu.yield
      }) : () -> ()
      "tpu.region"() ({
        %run_scoped3A = tpu.sem_alloc : memref<!tpu.dma_semaphore, #tpu.memory_space<semaphore_mem>>
        %dma_start3A_144 = tpu.memref_slice %arg4[%add3A_29] : memref<323584xi32, #tpu.memory_space<hbm>> -> memref<128xi32, #tpu.memory_space<hbm>>
        %dma_start3A_145 = tpu.memref_slice %arg4[%add3A_29] : memref<323584xi32, #tpu.memory_space<hbm>> -> memref<128xi32, #tpu.memory_space<hbm>>
        tpu.enqueue_dma source(%dma_start3A_145 : memref<128xi32, #tpu.memory_space<hbm>>) target(%arg9 : memref<128xi32, #tpu.memory_space<vmem>>) target_semaphore(%run_scoped3A : memref<!tpu.dma_semaphore, #tpu.memory_space<semaphore_mem>>)
        %dma_wait3A_146 = tpu.memref_slice %arg4[%add3A_29] : memref<323584xi32, #tpu.memory_space<hbm>> -> memref<128xi32, #tpu.memory_space<hbm>>
        %dma_wait3A_147 = tpu.memref_slice %arg4[%add3A_29] : memref<323584xi32, #tpu.memory_space<hbm>> -> memref<128xi32, #tpu.memory_space<hbm>>
        tpu.wait_dma2 semaphore(%run_scoped3A : memref<!tpu.dma_semaphore, #tpu.memory_space<semaphore_mem>>) src(%dma_wait3A_147 : memref<128xi32, #tpu.memory_space<hbm>>) dst(%arg9 : memref<128xi32, #tpu.memory_space<vmem>>)
        tpu.yield
      }) : () -> ()
      "tpu.region"() ({
        %run_scoped3A = tpu.sem_alloc : memref<!tpu.dma_semaphore, #tpu.memory_space<semaphore_mem>>
        %dma_start3A_144 = tpu.memref_slice %arg5[%add3A_29] : memref<323584xi32, #tpu.memory_space<hbm>> -> memref<128xi32, #tpu.memory_space<hbm>>
        %dma_start3A_145 = tpu.memref_slice %arg5[%add3A_29] : memref<323584xi32, #tpu.memory_space<hbm>> -> memref<128xi32, #tpu.memory_space<hbm>>
        tpu.enqueue_dma source(%dma_start3A_145 : memref<128xi32, #tpu.memory_space<hbm>>) target(%arg10 : memref<128xi32, #tpu.memory_space<vmem>>) target_semaphore(%run_scoped3A : memref<!tpu.dma_semaphore, #tpu.memory_space<semaphore_mem>>)
        %dma_wait3A_146 = tpu.memref_slice %arg5[%add3A_29] : memref<323584xi32, #tpu.memory_space<hbm>> -> memref<128xi32, #tpu.memory_space<hbm>>
        %dma_wait3A_147 = tpu.memref_slice %arg5[%add3A_29] : memref<323584xi32, #tpu.memory_space<hbm>> -> memref<128xi32, #tpu.memory_space<hbm>>
        tpu.wait_dma2 semaphore(%run_scoped3A : memref<!tpu.dma_semaphore, #tpu.memory_space<semaphore_mem>>) src(%dma_wait3A_147 : memref<128xi32, #tpu.memory_space<hbm>>) dst(%arg10 : memref<128xi32, #tpu.memory_space<vmem>>)
        tpu.yield
      }) : () -> ()
      %get3A = arith.constant 0 : index
      %get3A_30 = tpu.vector_load %arg10[%get3A] {strides = array<i32>} : memref<128xi32, #tpu.memory_space<vmem>>, vector<16xi32>,
      %get3A_31 = vector.shape_cast %get3A_30 : vector<16xi32> to vector<16xi32>
      %mul3A_32 = arith.constant 10000 : i32
      %mul3A_33 = vector.broadcast %mul3A_32 : i32 to vector<16xi32>
      %mul3A_34 = arith.muli %get3A_31, %mul3A_33 : vector<16xi32>
      %get3A_35 = arith.constant 0 : index
      %get3A_36 = tpu.vector_load %arg8[%get3A_35] {strides = array<i32>} : memref<128xi32, #tpu.memory_space<vmem>>, vector<16xi32>,
      %get3A_37 = vector.shape_cast %get3A_36 : vector<16xi32> to vector<16xi32>
      %add3A_38 = arith.addi %mul3A_34, %get3A_37 : vector<16xi32>
      %swap3A = arith.constant 0 : index
      %swap3A_39 = tpu.vector_load %arg11[%swap3A] {strides = array<i32>} : memref<128xi32, #tpu.memory_space<vmem>>, vector<16xi32>,
      %swap3A_40 = vector.shape_cast %swap3A_39 : vector<16xi32> to vector<16xi32>
      %swap3A_41 = vector.shape_cast %add3A_38 : vector<16xi32> to vector<16xi32>
      tpu.vector_store %arg11[%swap3A], %swap3A_41 {strides = array<i32>} : memref<128xi32, #tpu.memory_space<vmem>>, vector<16xi32>,
      %get3A_42 = arith.constant 16 : index
      %get3A_43 = tpu.vector_load %arg10[%get3A_42] {strides = array<i32>} : memref<128xi32, #tpu.memory_space<vmem>>, vector<16xi32>,
      %get3A_44 = vector.shape_cast %get3A_43 : vector<16xi32> to vector<16xi32>
      %mul3A_45 = arith.constant 10000 : i32
      %mul3A_46 = vector.broadcast %mul3A_45 : i32 to vector<16xi32>
      %mul3A_47 = arith.muli %get3A_44, %mul3A_46 : vector<16xi32>
      %get3A_48 = arith.constant 16 : index
      %get3A_49 = tpu.vector_load %arg8[%get3A_48] {strides = array<i32>} : memref<128xi32, #tpu.memory_space<vmem>>, vector<16xi32>,
      %get3A_50 = vector.shape_cast %get3A_49 : vector<16xi32> to vector<16xi32>
      %add3A_51 = arith.addi %mul3A_47, %get3A_50 : vector<16xi32>
      %swap3A_52 = arith.constant 16 : index
      %swap3A_53 = tpu.vector_load %arg11[%swap3A_52] {strides = array<i32>} : memref<128xi32, #tpu.memory_space<vmem>>, vector<16xi32>,
      %swap3A_54 = vector.shape_cast %swap3A_53 : vector<16xi32> to vector<16xi32>
      %swap3A_55 = vector.shape_cast %add3A_51 : vector<16xi32> to vector<16xi32>
      tpu.vector_store %arg11[%swap3A_52], %swap3A_55 {strides = array<i32>} : memref<128xi32, #tpu.memory_space<vmem>>, vector<16xi32>,
      %get3A_56 = arith.constant 32 : index
      %get3A_57 = tpu.vector_load %arg10[%get3A_56] {strides = array<i32>} : memref<128xi32, #tpu.memory_space<vmem>>, vector<16xi32>,
      %get3A_58 = vector.shape_cast %get3A_57 : vector<16xi32> to vector<16xi32>
      %mul3A_59 = arith.constant 10000 : i32
      %mul3A_60 = vector.broadcast %mul3A_59 : i32 to vector<16xi32>
      %mul3A_61 = arith.muli %get3A_58, %mul3A_60 : vector<16xi32>
      %get3A_62 = arith.constant 32 : index
      %get3A_63 = tpu.vector_load %arg8[%get3A_62] {strides = array<i32>} : memref<128xi32, #tpu.memory_space<vmem>>, vector<16xi32>,
      %get3A_64 = vector.shape_cast %get3A_63 : vector<16xi32> to vector<16xi32>
      %add3A_65 = arith.addi %mul3A_61, %get3A_64 : vector<16xi32>
      %swap3A_66 = arith.constant 32 : index
      %swap3A_67 = tpu.vector_load %arg11[%swap3A_66] {strides = array<i32>} : memref<128xi32, #tpu.memory_space<vmem>>, vector<16xi32>,
      %swap3A_68 = vector.shape_cast %swap3A_67 : vector<16xi32> to vector<16xi32>
      %swap3A_69 = vector.shape_cast %add3A_65 : vector<16xi32> to vector<16xi32>
      tpu.vector_store %arg11[%swap3A_66], %swap3A_69 {strides = array<i32>} : memref<128xi32, #tpu.memory_space<vmem>>, vector<16xi32>,
      %get3A_70 = arith.constant 48 : index
      %get3A_71 = tpu.vector_load %arg10[%get3A_70] {strides = array<i32>} : memref<128xi32, #tpu.memory_space<vmem>>, vector<16xi32>,
      %get3A_72 = vector.shape_cast %get3A_71 : vector<16xi32> to vector<16xi32>
      %mul3A_73 = arith.constant 10000 : i32
      %mul3A_74 = vector.broadcast %mul3A_73 : i32 to vector<16xi32>
      %mul3A_75 = arith.muli %get3A_72, %mul3A_74 : vector<16xi32>
      %get3A_76 = arith.constant 48 : index
      %get3A_77 = tpu.vector_load %arg8[%get3A_76] {strides = array<i32>} : memref<128xi32, #tpu.memory_space<vmem>>, vector<16xi32>,
      %get3A_78 = vector.shape_cast %get3A_77 : vector<16xi32> to vector<16xi32>
      %add3A_79 = arith.addi %mul3A_75, %get3A_78 : vector<16xi32>
      %swap3A_80 = arith.constant 48 : index
      %swap3A_81 = tpu.vector_load %arg11[%swap3A_80] {strides = array<i32>} : memref<128xi32, #tpu.memory_space<vmem>>, vector<16xi32>,
      %swap3A_82 = vector.shape_cast %swap3A_81 : vector<16xi32> to vector<16xi32>
      %swap3A_83 = vector.shape_cast %add3A_79 : vector<16xi32> to vector<16xi32>
      tpu.vector_store %arg11[%swap3A_80], %swap3A_83 {strides = array<i32>} : memref<128xi32, #tpu.memory_space<vmem>>, vector<16xi32>,
      %get3A_84 = arith.constant 64 : index
      %get3A_85 = tpu.vector_load %arg10[%get3A_84] {strides = array<i32>} : memref<128xi32, #tpu.memory_space<vmem>>, vector<16xi32>,
      %get3A_86 = vector.shape_cast %get3A_85 : vector<16xi32> to vector<16xi32>
      %mul3A_87 = arith.constant 10000 : i32
      %mul3A_88 = vector.broadcast %mul3A_87 : i32 to vector<16xi32>
      %mul3A_89 = arith.muli %get3A_86, %mul3A_88 : vector<16xi32>
      %get3A_90 = arith.constant 64 : index
      %get3A_91 = tpu.vector_load %arg8[%get3A_90] {strides = array<i32>} : memref<128xi32, #tpu.memory_space<vmem>>, vector<16xi32>,
      %get3A_92 = vector.shape_cast %get3A_91 : vector<16xi32> to vector<16xi32>
      %add3A_93 = arith.addi %mul3A_89, %get3A_92 : vector<16xi32>
      %swap3A_94 = arith.constant 64 : index
      %swap3A_95 = tpu.vector_load %arg11[%swap3A_94] {strides = array<i32>} : memref<128xi32, #tpu.memory_space<vmem>>, vector<16xi32>,
      %swap3A_96 = vector.shape_cast %swap3A_95 : vector<16xi32> to vector<16xi32>
      %swap3A_97 = vector.shape_cast %add3A_93 : vector<16xi32> to vector<16xi32>
      tpu.vector_store %arg11[%swap3A_94], %swap3A_97 {strides = array<i32>} : memref<128xi32, #tpu.memory_space<vmem>>, vector<16xi32>,
      %get3A_98 = arith.constant 80 : index
      %get3A_99 = tpu.vector_load %arg10[%get3A_98] {strides = array<i32>} : memref<128xi32, #tpu.memory_space<vmem>>, vector<16xi32>,
      %get3A_100 = vector.shape_cast %get3A_99 : vector<16xi32> to vector<16xi32>
      %mul3A_101 = arith.constant 10000 : i32
      %mul3A_102 = vector.broadcast %mul3A_101 : i32 to vector<16xi32>
      %mul3A_103 = arith.muli %get3A_100, %mul3A_102 : vector<16xi32>
      %get3A_104 = arith.constant 80 : index
      %get3A_105 = tpu.vector_load %arg8[%get3A_104] {strides = array<i32>} : memref<128xi32, #tpu.memory_space<vmem>>, vector<16xi32>,
      %get3A_106 = vector.shape_cast %get3A_105 : vector<16xi32> to vector<16xi32>
      %add3A_107 = arith.addi %mul3A_103, %get3A_106 : vector<16xi32>
      %swap3A_108 = arith.constant 80 : index
      %swap3A_109 = tpu.vector_load %arg11[%swap3A_108] {strides = array<i32>} : memref<128xi32, #tpu.memory_space<vmem>>, vector<16xi32>,
      %swap3A_110 = vector.shape_cast %swap3A_109 : vector<16xi32> to vector<16xi32>
      %swap3A_111 = vector.shape_cast %add3A_107 : vector<16xi32> to vector<16xi32>
      tpu.vector_store %arg11[%swap3A_108], %swap3A_111 {strides = array<i32>} : memref<128xi32, #tpu.memory_space<vmem>>, vector<16xi32>,
      %get3A_112 = arith.constant 96 : index
      %get3A_113 = tpu.vector_load %arg10[%get3A_112] {strides = array<i32>} : memref<128xi32, #tpu.memory_space<vmem>>, vector<16xi32>,
      %get3A_114 = vector.shape_cast %get3A_113 : vector<16xi32> to vector<16xi32>
      %mul3A_115 = arith.constant 10000 : i32
      %mul3A_116 = vector.broadcast %mul3A_115 : i32 to vector<16xi32>
      %mul3A_117 = arith.muli %get3A_114, %mul3A_116 : vector<16xi32>
      %get3A_118 = arith.constant 96 : index
      %get3A_119 = tpu.vector_load %arg8[%get3A_118] {strides = array<i32>} : memref<128xi32, #tpu.memory_space<vmem>>, vector<16xi32>,
      %get3A_120 = vector.shape_cast %get3A_119 : vector<16xi32> to vector<16xi32>
      %add3A_121 = arith.addi %mul3A_117, %get3A_120 : vector<16xi32>
      %swap3A_122 = arith.constant 96 : index
      %swap3A_123 = tpu.vector_load %arg11[%swap3A_122] {strides = array<i32>} : memref<128xi32, #tpu.memory_space<vmem>>, vector<16xi32>,
      %swap3A_124 = vector.shape_cast %swap3A_123 : vector<16xi32> to vector<16xi32>
      %swap3A_125 = vector.shape_cast %add3A_121 : vector<16xi32> to vector<16xi32>
      tpu.vector_store %arg11[%swap3A_122], %swap3A_125 {strides = array<i32>} : memref<128xi32, #tpu.memory_space<vmem>>, vector<16xi32>,
      %get3A_126 = arith.constant 112 : index
      %get3A_127 = tpu.vector_load %arg10[%get3A_126] {strides = array<i32>} : memref<128xi32, #tpu.memory_space<vmem>>, vector<16xi32>,
      %get3A_128 = vector.shape_cast %get3A_127 : vector<16xi32> to vector<16xi32>
      %mul3A_129 = arith.constant 10000 : i32
      %mul3A_130 = vector.broadcast %mul3A_129 : i32 to vector<16xi32>
      %mul3A_131 = arith.muli %get3A_128, %mul3A_130 : vector<16xi32>
      %get3A_132 = arith.constant 112 : index
      %get3A_133 = tpu.vector_load %arg8[%get3A_132] {strides = array<i32>} : memref<128xi32, #tpu.memory_space<vmem>>, vector<16xi32>,
      %get3A_134 = vector.shape_cast %get3A_133 : vector<16xi32> to vector<16xi32>
      %add3A_135 = arith.addi %mul3A_131, %get3A_134 : vector<16xi32>
      %swap3A_136 = arith.constant 112 : index
      %swap3A_137 = tpu.vector_load %arg11[%swap3A_136] {strides = array<i32>} : memref<128xi32, #tpu.memory_space<vmem>>, vector<16xi32>,
      %swap3A_138 = vector.shape_cast %swap3A_137 : vector<16xi32> to vector<16xi32>
      %swap3A_139 = vector.shape_cast %add3A_135 : vector<16xi32> to vector<16xi32>
      tpu.vector_store %arg11[%swap3A_136], %swap3A_139 {strides = array<i32>} : memref<128xi32, #tpu.memory_space<vmem>>, vector<16xi32>,
      %dma_start3A = arith.constant 0 : i32
      %dma_start3A_140 = arith.constant 0 : i32
      %dma_start3A_141 = tpu.memref_slice %arg2[%dma_start3A, %dma_start3A_140] : memref<170000x128xf32, #tpu.memory_space<hbm>> -> memref<170000x128xf32, #tpu.memory_space<hbm>>
      tpu.enqueue_indirect_dma source(%dma_start3A_141 : memref<170000x128xf32, #tpu.memory_space<hbm>>) target(%arg12 : memref<128x128xf32, #tpu.memory_space<vmem>>) offsets(%arg11 : memref<128xi32, #tpu.memory_space<vmem>>) semaphore(%arg14 : memref<!tpu.dma_semaphore, #tpu.memory_space<semaphore_mem>>)
      %dma_wait3A = arith.constant 0 : i32
      %dma_wait3A_142 = arith.constant 0 : i32
      %dma_wait3A_143 = tpu.memref_slice %arg2[%dma_wait3A, %dma_wait3A_142] : memref<170000x128xf32, #tpu.memory_space<hbm>> -> memref<170000x128xf32, #tpu.memory_space<hbm>>
      tpu.wait_indirect_dma semaphore(%arg14 : memref<!tpu.dma_semaphore, #tpu.memory_space<semaphore_mem>>) src(%dma_wait3A_143 : memref<170000x128xf32, #tpu.memory_space<hbm>>) dst(%arg12 : memref<128x128xf32, #tpu.memory_space<vmem>>)
      "tpu.region"() ({
        %run_scoped3A = tpu.sem_alloc : memref<!tpu.dma_semaphore, #tpu.memory_space<semaphore_mem>>
        %dma_start3A_144 = arith.constant 0 : i32
        %dma_start3A_145 = arith.constant 0 : i32
        %dma_start3A_146 = tpu.memref_slice %arg13[%dma_start3A_144, %dma_start3A_145] : memref<10240x128xf32, #tpu.memory_space<vmem_shared>> -> memref<10240x128xf32, #tpu.memory_space<vmem_shared>>
        tpu.enqueue_indirect_dma source(%arg12 : memref<128x128xf32, #tpu.memory_space<vmem>>) target(%dma_start3A_146 : memref<10240x128xf32, #tpu.memory_space<vmem_shared>>) offsets(%arg9 : memref<128xi32, #tpu.memory_space<vmem>>) semaphore(%run_scoped3A : memref<!tpu.dma_semaphore, #tpu.memory_space<semaphore_mem>>) {add = true}
        %dma_wait3A_147 = arith.constant 0 : i32
        %dma_wait3A_148 = arith.constant 0 : i32
        %dma_wait3A_149 = tpu.memref_slice %arg13[%dma_wait3A_147, %dma_wait3A_148] : memref<10240x128xf32, #tpu.memory_space<vmem_shared>> -> memref<10240x128xf32, #tpu.memory_space<vmem_shared>>
        tpu.wait_indirect_dma semaphore(%run_scoped3A : memref<!tpu.dma_semaphore, #tpu.memory_space<semaphore_mem>>) src(%arg12 : memref<128x128xf32, #tpu.memory_space<vmem>>) dst(%dma_wait3A_149 : memref<10240x128xf32, #tpu.memory_space<vmem_shared>>)
        tpu.yield
      }) : () -> ()
    }
    %while3A_22 = arith.constant 1 : i32
    scf.for %while3A_24 = %while3A_20 to %while3A_16 step %while3A_22  : i32 {
      %mul3A_25 = arith.constant 10112 : i32
      %mul3A_26 = arith.muli %add3A, %mul3A_25 : i32
      %mul3A_27 = arith.constant 128 : i32
      %mul3A_28 = arith.muli %while3A_24, %mul3A_27 : i32
      %add3A_29 = arith.addi %mul3A_26, %mul3A_28 : i32
      "tpu.region"() ({
        %run_scoped3A = tpu.sem_alloc : memref<!tpu.dma_semaphore, #tpu.memory_space<semaphore_mem>>
        %dma_start3A_144 = tpu.memref_slice %arg3[%add3A_29] : memref<323584xi32, #tpu.memory_space<hbm>> -> memref<128xi32, #tpu.memory_space<hbm>>
        %dma_start3A_145 = tpu.memref_slice %arg3[%add3A_29] : memref<323584xi32, #tpu.memory_space<hbm>> -> memref<128xi32, #tpu.memory_space<hbm>>
        tpu.enqueue_dma source(%dma_start3A_145 : memref<128xi32, #tpu.memory_space<hbm>>) target(%arg8 : memref<128xi32, #tpu.memory_space<vmem>>) target_semaphore(%run_scoped3A : memref<!tpu.dma_semaphore, #tpu.memory_space<semaphore_mem>>)
        %dma_wait3A_146 = tpu.memref_slice %arg3[%add3A_29] : memref<323584xi32, #tpu.memory_space<hbm>> -> memref<128xi32, #tpu.memory_space<hbm>>
        %dma_wait3A_147 = tpu.memref_slice %arg3[%add3A_29] : memref<323584xi32, #tpu.memory_space<hbm>> -> memref<128xi32, #tpu.memory_space<hbm>>
        tpu.wait_dma2 semaphore(%run_scoped3A : memref<!tpu.dma_semaphore, #tpu.memory_space<semaphore_mem>>) src(%dma_wait3A_147 : memref<128xi32, #tpu.memory_space<hbm>>) dst(%arg8 : memref<128xi32, #tpu.memory_space<vmem>>)
        tpu.yield
      }) : () -> ()
      "tpu.region"() ({
        %run_scoped3A = tpu.sem_alloc : memref<!tpu.dma_semaphore, #tpu.memory_space<semaphore_mem>>
        %dma_start3A_144 = tpu.memref_slice %arg4[%add3A_29] : memref<323584xi32, #tpu.memory_space<hbm>> -> memref<128xi32, #tpu.memory_space<hbm>>
        %dma_start3A_145 = tpu.memref_slice %arg4[%add3A_29] : memref<323584xi32, #tpu.memory_space<hbm>> -> memref<128xi32, #tpu.memory_space<hbm>>
        tpu.enqueue_dma source(%dma_start3A_145 : memref<128xi32, #tpu.memory_space<hbm>>) target(%arg9 : memref<128xi32, #tpu.memory_space<vmem>>) target_semaphore(%run_scoped3A : memref<!tpu.dma_semaphore, #tpu.memory_space<semaphore_mem>>)
        %dma_wait3A_146 = tpu.memref_slice %arg4[%add3A_29] : memref<323584xi32, #tpu.memory_space<hbm>> -> memref<128xi32, #tpu.memory_space<hbm>>
        %dma_wait3A_147 = tpu.memref_slice %arg4[%add3A_29] : memref<323584xi32, #tpu.memory_space<hbm>> -> memref<128xi32, #tpu.memory_space<hbm>>
        tpu.wait_dma2 semaphore(%run_scoped3A : memref<!tpu.dma_semaphore, #tpu.memory_space<semaphore_mem>>) src(%dma_wait3A_147 : memref<128xi32, #tpu.memory_space<hbm>>) dst(%arg9 : memref<128xi32, #tpu.memory_space<vmem>>)
        tpu.yield
      }) : () -> ()
      "tpu.region"() ({
        %run_scoped3A = tpu.sem_alloc : memref<!tpu.dma_semaphore, #tpu.memory_space<semaphore_mem>>
        %dma_start3A_144 = tpu.memref_slice %arg5[%add3A_29] : memref<323584xi32, #tpu.memory_space<hbm>> -> memref<128xi32, #tpu.memory_space<hbm>>
        %dma_start3A_145 = tpu.memref_slice %arg5[%add3A_29] : memref<323584xi32, #tpu.memory_space<hbm>> -> memref<128xi32, #tpu.memory_space<hbm>>
        tpu.enqueue_dma source(%dma_start3A_145 : memref<128xi32, #tpu.memory_space<hbm>>) target(%arg10 : memref<128xi32, #tpu.memory_space<vmem>>) target_semaphore(%run_scoped3A : memref<!tpu.dma_semaphore, #tpu.memory_space<semaphore_mem>>)
        %dma_wait3A_146 = tpu.memref_slice %arg5[%add3A_29] : memref<323584xi32, #tpu.memory_space<hbm>> -> memref<128xi32, #tpu.memory_space<hbm>>
        %dma_wait3A_147 = tpu.memref_slice %arg5[%add3A_29] : memref<323584xi32, #tpu.memory_space<hbm>> -> memref<128xi32, #tpu.memory_space<hbm>>
        tpu.wait_dma2 semaphore(%run_scoped3A : memref<!tpu.dma_semaphore, #tpu.memory_space<semaphore_mem>>) src(%dma_wait3A_147 : memref<128xi32, #tpu.memory_space<hbm>>) dst(%arg10 : memref<128xi32, #tpu.memory_space<vmem>>)
        tpu.yield
      }) : () -> ()
      %get3A = arith.constant 0 : index
      %get3A_30 = tpu.vector_load %arg10[%get3A] {strides = array<i32>} : memref<128xi32, #tpu.memory_space<vmem>>, vector<16xi32>,
      %get3A_31 = vector.shape_cast %get3A_30 : vector<16xi32> to vector<16xi32>
      %mul3A_32 = arith.constant 10000 : i32
      %mul3A_33 = vector.broadcast %mul3A_32 : i32 to vector<16xi32>
      %mul3A_34 = arith.muli %get3A_31, %mul3A_33 : vector<16xi32>
      %get3A_35 = arith.constant 0 : index
      %get3A_36 = tpu.vector_load %arg8[%get3A_35] {strides = array<i32>} : memref<128xi32, #tpu.memory_space<vmem>>, vector<16xi32>,
      %get3A_37 = vector.shape_cast %get3A_36 : vector<16xi32> to vector<16xi32>
      %add3A_38 = arith.addi %mul3A_34, %get3A_37 : vector<16xi32>
      %swap3A = arith.constant 0 : index
      %swap3A_39 = tpu.vector_load %arg11[%swap3A] {strides = array<i32>} : memref<128xi32, #tpu.memory_space<vmem>>, vector<16xi32>,
      %swap3A_40 = vector.shape_cast %swap3A_39 : vector<16xi32> to vector<16xi32>
      %swap3A_41 = vector.shape_cast %add3A_38 : vector<16xi32> to vector<16xi32>
      tpu.vector_store %arg11[%swap3A], %swap3A_41 {strides = array<i32>} : memref<128xi32, #tpu.memory_space<vmem>>, vector<16xi32>,
      %get3A_42 = arith.constant 16 : index
      %get3A_43 = tpu.vector_load %arg10[%get3A_42] {strides = array<i32>} : memref<128xi32, #tpu.memory_space<vmem>>, vector<16xi32>,
      %get3A_44 = vector.shape_cast %get3A_43 : vector<16xi32> to vector<16xi32>
      %mul3A_45 = arith.constant 10000 : i32
      %mul3A_46 = vector.broadcast %mul3A_45 : i32 to vector<16xi32>
      %mul3A_47 = arith.muli %get3A_44, %mul3A_46 : vector<16xi32>
      %get3A_48 = arith.constant 16 : index
      %get3A_49 = tpu.vector_load %arg8[%get3A_48] {strides = array<i32>} : memref<128xi32, #tpu.memory_space<vmem>>, vector<16xi32>,
      %get3A_50 = vector.shape_cast %get3A_49 : vector<16xi32> to vector<16xi32>
      %add3A_51 = arith.addi %mul3A_47, %get3A_50 : vector<16xi32>
      %swap3A_52 = arith.constant 16 : index
      %swap3A_53 = tpu.vector_load %arg11[%swap3A_52] {strides = array<i32>} : memref<128xi32, #tpu.memory_space<vmem>>, vector<16xi32>,
      %swap3A_54 = vector.shape_cast %swap3A_53 : vector<16xi32> to vector<16xi32>
      %swap3A_55 = vector.shape_cast %add3A_51 : vector<16xi32> to vector<16xi32>
      tpu.vector_store %arg11[%swap3A_52], %swap3A_55 {strides = array<i32>} : memref<128xi32, #tpu.memory_space<vmem>>, vector<16xi32>,
      %get3A_56 = arith.constant 32 : index
      %get3A_57 = tpu.vector_load %arg10[%get3A_56] {strides = array<i32>} : memref<128xi32, #tpu.memory_space<vmem>>, vector<16xi32>,
      %get3A_58 = vector.shape_cast %get3A_57 : vector<16xi32> to vector<16xi32>
      %mul3A_59 = arith.constant 10000 : i32
      %mul3A_60 = vector.broadcast %mul3A_59 : i32 to vector<16xi32>
      %mul3A_61 = arith.muli %get3A_58, %mul3A_60 : vector<16xi32>
      %get3A_62 = arith.constant 32 : index
      %get3A_63 = tpu.vector_load %arg8[%get3A_62] {strides = array<i32>} : memref<128xi32, #tpu.memory_space<vmem>>, vector<16xi32>,
      %get3A_64 = vector.shape_cast %get3A_63 : vector<16xi32> to vector<16xi32>
      %add3A_65 = arith.addi %mul3A_61, %get3A_64 : vector<16xi32>
      %swap3A_66 = arith.constant 32 : index
      %swap3A_67 = tpu.vector_load %arg11[%swap3A_66] {strides = array<i32>} : memref<128xi32, #tpu.memory_space<vmem>>, vector<16xi32>,
      %swap3A_68 = vector.shape_cast %swap3A_67 : vector<16xi32> to vector<16xi32>
      %swap3A_69 = vector.shape_cast %add3A_65 : vector<16xi32> to vector<16xi32>
      tpu.vector_store %arg11[%swap3A_66], %swap3A_69 {strides = array<i32>} : memref<128xi32, #tpu.memory_space<vmem>>, vector<16xi32>,
      %get3A_70 = arith.constant 48 : index
      %get3A_71 = tpu.vector_load %arg10[%get3A_70] {strides = array<i32>} : memref<128xi32, #tpu.memory_space<vmem>>, vector<16xi32>,
      %get3A_72 = vector.shape_cast %get3A_71 : vector<16xi32> to vector<16xi32>
      %mul3A_73 = arith.constant 10000 : i32
      %mul3A_74 = vector.broadcast %mul3A_73 : i32 to vector<16xi32>
      %mul3A_75 = arith.muli %get3A_72, %mul3A_74 : vector<16xi32>
      %get3A_76 = arith.constant 48 : index
      %get3A_77 = tpu.vector_load %arg8[%get3A_76] {strides = array<i32>} : memref<128xi32, #tpu.memory_space<vmem>>, vector<16xi32>,
      %get3A_78 = vector.shape_cast %get3A_77 : vector<16xi32> to vector<16xi32>
      %add3A_79 = arith.addi %mul3A_75, %get3A_78 : vector<16xi32>
      %swap3A_80 = arith.constant 48 : index
      %swap3A_81 = tpu.vector_load %arg11[%swap3A_80] {strides = array<i32>} : memref<128xi32, #tpu.memory_space<vmem>>, vector<16xi32>,
      %swap3A_82 = vector.shape_cast %swap3A_81 : vector<16xi32> to vector<16xi32>
      %swap3A_83 = vector.shape_cast %add3A_79 : vector<16xi32> to vector<16xi32>
      tpu.vector_store %arg11[%swap3A_80], %swap3A_83 {strides = array<i32>} : memref<128xi32, #tpu.memory_space<vmem>>, vector<16xi32>,
      %get3A_84 = arith.constant 64 : index
      %get3A_85 = tpu.vector_load %arg10[%get3A_84] {strides = array<i32>} : memref<128xi32, #tpu.memory_space<vmem>>, vector<16xi32>,
      %get3A_86 = vector.shape_cast %get3A_85 : vector<16xi32> to vector<16xi32>
      %mul3A_87 = arith.constant 10000 : i32
      %mul3A_88 = vector.broadcast %mul3A_87 : i32 to vector<16xi32>
      %mul3A_89 = arith.muli %get3A_86, %mul3A_88 : vector<16xi32>
      %get3A_90 = arith.constant 64 : index
      %get3A_91 = tpu.vector_load %arg8[%get3A_90] {strides = array<i32>} : memref<128xi32, #tpu.memory_space<vmem>>, vector<16xi32>,
      %get3A_92 = vector.shape_cast %get3A_91 : vector<16xi32> to vector<16xi32>
      %add3A_93 = arith.addi %mul3A_89, %get3A_92 : vector<16xi32>
      %swap3A_94 = arith.constant 64 : index
      %swap3A_95 = tpu.vector_load %arg11[%swap3A_94] {strides = array<i32>} : memref<128xi32, #tpu.memory_space<vmem>>, vector<16xi32>,
      %swap3A_96 = vector.shape_cast %swap3A_95 : vector<16xi32> to vector<16xi32>
      %swap3A_97 = vector.shape_cast %add3A_93 : vector<16xi32> to vector<16xi32>
      tpu.vector_store %arg11[%swap3A_94], %swap3A_97 {strides = array<i32>} : memref<128xi32, #tpu.memory_space<vmem>>, vector<16xi32>,
      %get3A_98 = arith.constant 80 : index
      %get3A_99 = tpu.vector_load %arg10[%get3A_98] {strides = array<i32>} : memref<128xi32, #tpu.memory_space<vmem>>, vector<16xi32>,
      %get3A_100 = vector.shape_cast %get3A_99 : vector<16xi32> to vector<16xi32>
      %mul3A_101 = arith.constant 10000 : i32
      %mul3A_102 = vector.broadcast %mul3A_101 : i32 to vector<16xi32>
      %mul3A_103 = arith.muli %get3A_100, %mul3A_102 : vector<16xi32>
      %get3A_104 = arith.constant 80 : index
      %get3A_105 = tpu.vector_load %arg8[%get3A_104] {strides = array<i32>} : memref<128xi32, #tpu.memory_space<vmem>>, vector<16xi32>,
      %get3A_106 = vector.shape_cast %get3A_105 : vector<16xi32> to vector<16xi32>
      %add3A_107 = arith.addi %mul3A_103, %get3A_106 : vector<16xi32>
      %swap3A_108 = arith.constant 80 : index
      %swap3A_109 = tpu.vector_load %arg11[%swap3A_108] {strides = array<i32>} : memref<128xi32, #tpu.memory_space<vmem>>, vector<16xi32>,
      %swap3A_110 = vector.shape_cast %swap3A_109 : vector<16xi32> to vector<16xi32>
      %swap3A_111 = vector.shape_cast %add3A_107 : vector<16xi32> to vector<16xi32>
      tpu.vector_store %arg11[%swap3A_108], %swap3A_111 {strides = array<i32>} : memref<128xi32, #tpu.memory_space<vmem>>, vector<16xi32>,
      %get3A_112 = arith.constant 96 : index
      %get3A_113 = tpu.vector_load %arg10[%get3A_112] {strides = array<i32>} : memref<128xi32, #tpu.memory_space<vmem>>, vector<16xi32>,
      %get3A_114 = vector.shape_cast %get3A_113 : vector<16xi32> to vector<16xi32>
      %mul3A_115 = arith.constant 10000 : i32
      %mul3A_116 = vector.broadcast %mul3A_115 : i32 to vector<16xi32>
      %mul3A_117 = arith.muli %get3A_114, %mul3A_116 : vector<16xi32>
      %get3A_118 = arith.constant 96 : index
      %get3A_119 = tpu.vector_load %arg8[%get3A_118] {strides = array<i32>} : memref<128xi32, #tpu.memory_space<vmem>>, vector<16xi32>,
      %get3A_120 = vector.shape_cast %get3A_119 : vector<16xi32> to vector<16xi32>
      %add3A_121 = arith.addi %mul3A_117, %get3A_120 : vector<16xi32>
      %swap3A_122 = arith.constant 96 : index
      %swap3A_123 = tpu.vector_load %arg11[%swap3A_122] {strides = array<i32>} : memref<128xi32, #tpu.memory_space<vmem>>, vector<16xi32>,
      %swap3A_124 = vector.shape_cast %swap3A_123 : vector<16xi32> to vector<16xi32>
      %swap3A_125 = vector.shape_cast %add3A_121 : vector<16xi32> to vector<16xi32>
      tpu.vector_store %arg11[%swap3A_122], %swap3A_125 {strides = array<i32>} : memref<128xi32, #tpu.memory_space<vmem>>, vector<16xi32>,
      %get3A_126 = arith.constant 112 : index
      %get3A_127 = tpu.vector_load %arg10[%get3A_126] {strides = array<i32>} : memref<128xi32, #tpu.memory_space<vmem>>, vector<16xi32>,
      %get3A_128 = vector.shape_cast %get3A_127 : vector<16xi32> to vector<16xi32>
      %mul3A_129 = arith.constant 10000 : i32
      %mul3A_130 = vector.broadcast %mul3A_129 : i32 to vector<16xi32>
      %mul3A_131 = arith.muli %get3A_128, %mul3A_130 : vector<16xi32>
      %get3A_132 = arith.constant 112 : index
      %get3A_133 = tpu.vector_load %arg8[%get3A_132] {strides = array<i32>} : memref<128xi32, #tpu.memory_space<vmem>>, vector<16xi32>,
      %get3A_134 = vector.shape_cast %get3A_133 : vector<16xi32> to vector<16xi32>
      %add3A_135 = arith.addi %mul3A_131, %get3A_134 : vector<16xi32>
      %swap3A_136 = arith.constant 112 : index
      %swap3A_137 = tpu.vector_load %arg11[%swap3A_136] {strides = array<i32>} : memref<128xi32, #tpu.memory_space<vmem>>, vector<16xi32>,
      %swap3A_138 = vector.shape_cast %swap3A_137 : vector<16xi32> to vector<16xi32>
      %swap3A_139 = vector.shape_cast %add3A_135 : vector<16xi32> to vector<16xi32>
      tpu.vector_store %arg11[%swap3A_136], %swap3A_139 {strides = array<i32>} : memref<128xi32, #tpu.memory_space<vmem>>, vector<16xi32>,
      %dma_start3A = arith.constant 0 : i32
      %dma_start3A_140 = arith.constant 0 : i32
      %dma_start3A_141 = tpu.memref_slice %arg2[%dma_start3A, %dma_start3A_140] : memref<170000x128xf32, #tpu.memory_space<hbm>> -> memref<170000x128xf32, #tpu.memory_space<hbm>>
      tpu.enqueue_indirect_dma source(%dma_start3A_141 : memref<170000x128xf32, #tpu.memory_space<hbm>>) target(%arg12 : memref<128x128xf32, #tpu.memory_space<vmem>>) offsets(%arg11 : memref<128xi32, #tpu.memory_space<vmem>>) semaphore(%arg14 : memref<!tpu.dma_semaphore, #tpu.memory_space<semaphore_mem>>)
      %dma_wait3A = arith.constant 0 : i32
      %dma_wait3A_142 = arith.constant 0 : i32
      %dma_wait3A_143 = tpu.memref_slice %arg2[%dma_wait3A, %dma_wait3A_142] : memref<170000x128xf32, #tpu.memory_space<hbm>> -> memref<170000x128xf32, #tpu.memory_space<hbm>>
      tpu.wait_indirect_dma semaphore(%arg14 : memref<!tpu.dma_semaphore, #tpu.memory_space<semaphore_mem>>) src(%dma_wait3A_143 : memref<170000x128xf32, #tpu.memory_space<hbm>>) dst(%arg12 : memref<128x128xf32, #tpu.memory_space<vmem>>)
      "tpu.region"() ({
        %run_scoped3A = tpu.sem_alloc : memref<!tpu.dma_semaphore, #tpu.memory_space<semaphore_mem>>
        %dma_start3A_144 = arith.constant 0 : i32
        %dma_start3A_145 = arith.constant 0 : i32
        %dma_start3A_146 = tpu.memref_slice %arg13[%dma_start3A_144, %dma_start3A_145] : memref<10240x128xf32, #tpu.memory_space<vmem_shared>> -> memref<10240x128xf32, #tpu.memory_space<vmem_shared>>
        tpu.enqueue_indirect_dma source(%arg12 : memref<128x128xf32, #tpu.memory_space<vmem>>) target(%dma_start3A_146 : memref<10240x128xf32, #tpu.memory_space<vmem_shared>>) offsets(%arg9 : memref<128xi32, #tpu.memory_space<vmem>>) semaphore(%run_scoped3A : memref<!tpu.dma_semaphore, #tpu.memory_space<semaphore_mem>>) {add = true}
        %dma_wait3A_147 = arith.constant 0 : i32
        %dma_wait3A_148 = arith.constant 0 : i32
        %dma_wait3A_149 = tpu.memref_slice %arg13[%dma_wait3A_147, %dma_wait3A_148] : memref<10240x128xf32, #tpu.memory_space<vmem_shared>> -> memref<10240x128xf32, #tpu.memory_space<vmem_shared>>
        tpu.wait_indirect_dma semaphore(%run_scoped3A : memref<!tpu.dma_semaphore, #tpu.memory_space<semaphore_mem>>) src(%arg12 : memref<128x128xf32, #tpu.memory_space<vmem>>) dst(%dma_wait3A_149 : memref<10240x128xf32, #tpu.memory_space<vmem_shared>>)
        tpu.yield
      }) : () -> ()
    }
    %barrier3A_23 = arith.constant 0 : index
    tpu.barrier barrier_id(%barrier3A_23)
    "tpu.region"() ({
      %run_scoped3A = tpu.sem_alloc : memref<!tpu.dma_semaphore, #tpu.memory_space<semaphore_mem>>
      %dma_start3A = arith.constant 0 : i32
      %dma_start3A_24 = tpu.memref_slice %arg7[%arg0, %mul3A_2, %dma_start3A] : memref<2x10240x128xf32, #tpu.memory_space<hbm>> -> memref<1x640x128xf32, #tpu.memory_space<hbm>>
      %dma_start3A_25 = tpu.memref_squeeze %dma_start3A_24 : memref<1x640x128xf32, #tpu.memory_space<hbm>> -> memref<640x128xf32, #tpu.memory_space<hbm>>
      %dma_start3A_26 = arith.constant 0 : i32
      %dma_start3A_27 = tpu.memref_slice %arg13[%mul3A_2, %dma_start3A_26] : memref<10240x128xf32, #tpu.memory_space<vmem_shared>> -> memref<640x128xf32, #tpu.memory_space<vmem_shared>>
      tpu.enqueue_dma source(%dma_start3A_27 : memref<640x128xf32, #tpu.memory_space<vmem_shared>>) target(%dma_start3A_25 : memref<640x128xf32, #tpu.memory_space<hbm>>) target_semaphore(%run_scoped3A : memref<!tpu.dma_semaphore, #tpu.memory_space<semaphore_mem>>)
      %dma_wait3A = arith.constant 0 : i32
      %dma_wait3A_28 = tpu.memref_slice %arg7[%arg0, %mul3A_2, %dma_wait3A] : memref<2x10240x128xf32, #tpu.memory_space<hbm>> -> memref<1x640x128xf32, #tpu.memory_space<hbm>>
      %dma_wait3A_29 = tpu.memref_squeeze %dma_wait3A_28 : memref<1x640x128xf32, #tpu.memory_space<hbm>> -> memref<640x128xf32, #tpu.memory_space<hbm>>
      %dma_wait3A_30 = arith.constant 0 : i32
      %dma_wait3A_31 = tpu.memref_slice %arg13[%mul3A_2, %dma_wait3A_30] : memref<10240x128xf32, #tpu.memory_space<vmem_shared>> -> memref<640x128xf32, #tpu.memory_space<vmem_shared>>
      tpu.wait_dma2 semaphore(%run_scoped3A : memref<!tpu.dma_semaphore, #tpu.memory_space<semaphore_mem>>) src(%dma_wait3A_31 : memref<640x128xf32, #tpu.memory_space<vmem_shared>>) dst(%dma_wait3A_29 : memref<640x128xf32, #tpu.memory_space<hbm>>)
      tpu.yield
    }) : () -> ()
    return
  }
}

module attributes {stable_mosaic.version = 14 : i64} {
  func.func @_expand_body(%arg0: i32, %arg1: i32, %arg2: memref<16x2xf32, #tpu.memory_space<smem>>, %arg3: memref<2000x128xf32, #tpu.memory_space<vmem>>, %arg4: memref<3x128x128xf32, #tpu.memory_space<vmem>>, %arg5: memref<128x128xf32, #tpu.memory_space<vmem>>, %arg6: memref<1x128xf32, #tpu.memory_space<vmem>>, %arg7: memref<2000x128xf32, #tpu.memory_space<vmem>>) attributes {dimension_semantics = [#tpu.dimension_semantics<arbitrary>, #tpu.dimension_semantics<arbitrary>], iteration_bounds = array<i64: 17, 5>, scalar_prefetch = 0 : i64, scratch_operands = 0 : i64, tpu.core_type = #tpu.core_type<tc>, window_params = [{transform_indices = @transform_0, window_bounds = array<i64: 16, 2>}, {transform_indices = @transform_1, window_bounds = array<i64: 2000, 128>}, {pipeline_mode = #tpu.pipeline_mode<synchronous>, transform_indices = @transform_2, window_bounds = array<i64: 3, 128, 128>}, {pipeline_mode = #tpu.pipeline_mode<synchronous>, transform_indices = @transform_3, window_bounds = array<i64: 128, 128>}, {pipeline_mode = #tpu.pipeline_mode<synchronous>, transform_indices = @transform_4, window_bounds = array<i64: 1, 128>}, {transform_indices = @transform_5, window_bounds = array<i64: 2000, 128>}]} {
    %get3A = arith.constant 0 : index
    %get3A_0 = arith.constant 0 : index
    %get3A_1 = vector.load %arg3[%get3A, %get3A_0] : memref<2000x128xf32, #tpu.memory_space<vmem>>, vector<2000x128xf32>
    %lt3A = arith.constant 16 : i32
    %lt3A_2 = arith.cmpi slt, %arg0, %lt3A : i32
    %convert_element_type3A = arith.extui %lt3A_2 : i1 to i32
    %cond3A = arith.constant 0 : i32
    %cond3A_3 = arith.cmpi ne, %convert_element_type3A, %cond3A : i32
    scf.if %cond3A_3 {
      %get3A_8 = arith.index_cast %arg0 : i32 to index
      %get3A_9 = arith.constant 0 : index
      %get3A_10 = memref.load %arg2[%get3A_8, %get3A_9] : memref<16x2xf32, #tpu.memory_space<smem>>
      %get3A_11 = arith.constant 0 : index
      %get3A_12 = arith.constant 0 : index
      %get3A_13 = arith.constant 0 : index
      %get3A_14 = vector.load %arg4[%get3A_11, %get3A_12, %get3A_13] : memref<3x128x128xf32, #tpu.memory_space<vmem>>, vector<1x128x128xf32>
      %get3A_15 = vector.shape_cast %get3A_14 : vector<1x128x128xf32> to vector<128x128xf32>
      %mul3A = vector.broadcast %get3A_10 : f32 to vector<128x128xf32>
      %mul3A_16 = arith.mulf %mul3A, %get3A_15 : vector<128x128xf32>
      %get3A_17 = arith.index_cast %arg0 : i32 to index
      %get3A_18 = arith.constant 1 : index
      %get3A_19 = memref.load %arg2[%get3A_17, %get3A_18] : memref<16x2xf32, #tpu.memory_space<smem>>
      %get3A_20 = arith.constant 1 : index
      %get3A_21 = arith.constant 0 : index
      %get3A_22 = arith.constant 0 : index
      %get3A_23 = vector.load %arg4[%get3A_20, %get3A_21, %get3A_22] : memref<3x128x128xf32, #tpu.memory_space<vmem>>, vector<1x128x128xf32>
      %get3A_24 = vector.shape_cast %get3A_23 : vector<1x128x128xf32> to vector<128x128xf32>
      %mul3A_25 = vector.broadcast %get3A_19 : f32 to vector<128x128xf32>
      %mul3A_26 = arith.mulf %mul3A_25, %get3A_24 : vector<128x128xf32>
      %add3A = arith.addf %mul3A_16, %mul3A_26 : vector<128x128xf32>
      %dot_general3A = arith.constant dense<0.000000e+00> : vector<2000x128xf32>
      %dot_general3A_27 = tpu.matmul %get3A_1, %add3A, %dot_general3A {dimension_numbers = #tpu.dot_dimension_numbers<[1], [0], [0], [1], [0, 0, 1, 1], [], []>, transpose_lhs_hint = false} : vector<2000x128xf32>, vector<128x128xf32>, vector<2000x128xf32> -> vector<2000x128xf32>
      %swap3A = arith.constant 0 : index
      %swap3A_28 = arith.constant 0 : index
      %swap3A_29 = vector.load %arg7[%swap3A, %swap3A_28] : memref<2000x128xf32, #tpu.memory_space<vmem>>, vector<2000x128xf32>
      tpu.vector_store %arg7[%swap3A, %swap3A_28], %dot_general3A_27 {strides = array<i32>} : memref<2000x128xf32, #tpu.memory_space<vmem>>, vector<2000x128xf32>,
    } else {
    }
    %eq3A = arith.constant 16 : i32
    %eq3A_4 = arith.cmpi eq, %arg0, %eq3A : i32
    %convert_element_type3A_5 = arith.extui %eq3A_4 : i1 to i32
    %cond3A_6 = arith.constant 0 : i32
    %cond3A_7 = arith.cmpi ne, %convert_element_type3A_5, %cond3A_6 : i32
    scf.if %cond3A_7 {
      %get3A_8 = arith.constant 2 : index
      %get3A_9 = arith.constant 0 : index
      %get3A_10 = arith.constant 0 : index
      %get3A_11 = vector.load %arg4[%get3A_8, %get3A_9, %get3A_10] : memref<3x128x128xf32, #tpu.memory_space<vmem>>, vector<1x128x128xf32>
      %get3A_12 = vector.shape_cast %get3A_11 : vector<1x128x128xf32> to vector<128x128xf32>
      %get3A_13 = arith.constant 0 : index
      %get3A_14 = arith.constant 0 : index
      %get3A_15 = vector.load %arg5[%get3A_13, %get3A_14] : memref<128x128xf32, #tpu.memory_space<vmem>>, vector<128x128xf32>
      %add3A = arith.addf %get3A_12, %get3A_15 : vector<128x128xf32>
      %dot_general3A = arith.constant dense<0.000000e+00> : vector<2000x128xf32>
      %dot_general3A_16 = tpu.matmul %get3A_1, %add3A, %dot_general3A {dimension_numbers = #tpu.dot_dimension_numbers<[1], [0], [0], [1], [0, 0, 1, 1], [], []>, transpose_lhs_hint = false} : vector<2000x128xf32>, vector<128x128xf32>, vector<2000x128xf32> -> vector<2000x128xf32>
      %get3A_17 = arith.constant 0 : index
      %get3A_18 = arith.constant 0 : index
      %get3A_19 = vector.load %arg6[%get3A_17, %get3A_18] : memref<1x128xf32, #tpu.memory_space<vmem>>, vector<1x128xf32>
      %add3A_20 = vector.broadcast %get3A_19 : vector<1x128xf32> to vector<2000x128xf32>
      %add3A_21 = arith.addf %dot_general3A_16, %add3A_20 : vector<2000x128xf32>
      %swap3A = arith.constant 0 : index
      %swap3A_22 = arith.constant 0 : index
      %swap3A_23 = vector.load %arg7[%swap3A, %swap3A_22] : memref<2000x128xf32, #tpu.memory_space<vmem>>, vector<2000x128xf32>
      tpu.vector_store %arg7[%swap3A, %swap3A_22], %add3A_21 {strides = array<i32>} : memref<2000x128xf32, #tpu.memory_space<vmem>>, vector<2000x128xf32>,
    } else {
    }
    return
  }
  func.func @transform_0(%arg0: i32, %arg1: i32) -> (i32, i32) {
    %c0_i32 = arith.constant 0 : i32
    %c0_i32_0 = arith.constant 0 : i32
    %c0_i32_1 = arith.constant 0 : i32
    return %c0_i32, %c0_i32_0 : i32, i32
  }
  func.func @transform_1(%arg0: i32, %arg1: i32) -> (i32, i32) {
    %c0_i32 = arith.constant 0 : i32
    %c0_i32_0 = arith.constant 0 : i32
    return %arg1, %c0_i32 : i32, i32
  }
  func.func @transform_2(%arg0: i32, %arg1: i32) -> (i32, i32, i32) {
    %c0_i32 = arith.constant 0 : i32
    %c0_i32_0 = arith.constant 0 : i32
    %c0_i32_1 = arith.constant 0 : i32
    %c0_i32_2 = arith.constant 0 : i32
    return %c0_i32, %c0_i32_0, %c0_i32_1 : i32, i32, i32
  }
  func.func @transform_3(%arg0: i32, %arg1: i32) -> (i32, i32) {
    %c0_i32 = arith.constant 0 : i32
    %c0_i32_0 = arith.constant 0 : i32
    %c0_i32_1 = arith.constant 0 : i32
    return %c0_i32, %c0_i32_0 : i32, i32
  }
  func.func @transform_4(%arg0: i32, %arg1: i32) -> (i32, i32) {
    %c0_i32 = arith.constant 0 : i32
    %c0_i32_0 = arith.constant 0 : i32
    %c0_i32_1 = arith.constant 0 : i32
    return %c0_i32, %c0_i32_0 : i32, i32
  }
  func.func @transform_5(%arg0: i32, %arg1: i32) -> (i32, i32) {
    %mul3A = arith.constant 5 : i32
    %mul3A_0 = arith.muli %arg0, %mul3A : i32
    %add3A = arith.addi %mul3A_0, %arg1 : i32
    %c0_i32 = arith.constant 0 : i32
    %c0_i32_1 = arith.constant 0 : i32
    return %add3A, %c0_i32 : i32, i32
  }
}

module attributes {stable_mosaic.version = 14 : i64} {
  func.func @_final_body(%arg0: i32, %arg1: memref<1x2000x128xf32, #tpu.memory_space<vmem>>, %arg2: memref<1x2000x128xf32, #tpu.memory_space<vmem>>, %arg3: memref<2000x128xf32, #tpu.memory_space<vmem>>, %arg4: memref<2000x128xf32, #tpu.memory_space<vmem>>) attributes {dimension_semantics = [#tpu.dimension_semantics<arbitrary>], iteration_bounds = array<i64: 5>, scalar_prefetch = 0 : i64, scratch_operands = 0 : i64, tpu.core_type = #tpu.core_type<tc>, window_params = [{transform_indices = @transform_0, window_bounds = array<i64: 1, 2000, 128>}, {transform_indices = @transform_1, window_bounds = array<i64: 1, 2000, 128>}, {transform_indices = @transform_2, window_bounds = array<i64: 2000, 128>}, {transform_indices = @transform_3, window_bounds = array<i64: 2000, 128>}]} {
    %get3A = arith.constant 0 : index
    %get3A_0 = arith.constant 0 : index
    %get3A_1 = arith.constant 0 : index
    %get3A_2 = vector.load %arg1[%get3A, %get3A_0, %get3A_1] : memref<1x2000x128xf32, #tpu.memory_space<vmem>>, vector<1x2000x128xf32>
    %get3A_3 = vector.shape_cast %get3A_2 : vector<1x2000x128xf32> to vector<2000x128xf32>
    %get3A_4 = arith.constant 0 : index
    %get3A_5 = arith.constant 0 : index
    %get3A_6 = arith.constant 0 : index
    %get3A_7 = vector.load %arg2[%get3A_4, %get3A_5, %get3A_6] : memref<1x2000x128xf32, #tpu.memory_space<vmem>>, vector<1x2000x128xf32>
    %get3A_8 = vector.shape_cast %get3A_7 : vector<1x2000x128xf32> to vector<2000x128xf32>
    %add3A = arith.addf %get3A_3, %get3A_8 : vector<2000x128xf32>
    %get3A_9 = arith.constant 0 : index
    %get3A_10 = arith.constant 0 : index
    %get3A_11 = vector.load %arg3[%get3A_9, %get3A_10] : memref<2000x128xf32, #tpu.memory_space<vmem>>, vector<2000x128xf32>
    %add3A_12 = arith.addf %add3A, %get3A_11 : vector<2000x128xf32>
    %swap3A = arith.constant 0 : index
    %swap3A_13 = arith.constant 0 : index
    %swap3A_14 = vector.load %arg4[%swap3A, %swap3A_13] : memref<2000x128xf32, #tpu.memory_space<vmem>>, vector<2000x128xf32>
    tpu.vector_store %arg4[%swap3A, %swap3A_13], %add3A_12 {strides = array<i32>} : memref<2000x128xf32, #tpu.memory_space<vmem>>, vector<2000x128xf32>,
    return
  }
  func.func @transform_0(%arg0: i32) -> (i32, i32, i32) {
    %c0_i32 = arith.constant 0 : i32
    %c0_i32_0 = arith.constant 0 : i32
    %c0_i32_1 = arith.constant 0 : i32
    return %c0_i32, %arg0, %c0_i32_0 : i32, i32, i32
  }
  func.func @transform_1(%arg0: i32) -> (i32, i32, i32) {
    %c1_i32 = arith.constant 1 : i32
    %c0_i32 = arith.constant 0 : i32
    %c0_i32_0 = arith.constant 0 : i32
    return %c1_i32, %arg0, %c0_i32 : i32, i32, i32
  }
  func.func @transform_2(%arg0: i32) -> (i32, i32) {
    %add3A = arith.constant 80 : i32
    %add3A_0 = arith.addi %add3A, %arg0 : i32
    %c0_i32 = arith.constant 0 : i32
    %c0_i32_1 = arith.constant 0 : i32
    return %add3A_0, %c0_i32 : i32, i32
  }
  func.func @transform_3(%arg0: i32) -> (i32, i32) {
    %c0_i32 = arith.constant 0 : i32
    %c0_i32_0 = arith.constant 0 : i32
    return %arg0, %c0_i32 : i32, i32
  }
}

</mosaic_0001>

<sc_bundles>
// kernel: kernel.5.cloned.1.call-start
scs
__scs_entry_jumppad:
0x0: {  	(pc) =	sbr.rel $0x88, $3  }
0x1: {  	(tag) =	ssettag $0x0;
	lr =	simm.s32 $0x1  }
0x2: {  	[smem:$0x3F9A] =	sst lr;
	_ =	strace $0xD0000000  }
0x3: {  	_ = 	snop  }
0x4: {  	_ = 	snop  }
0x5: {  	_ = 	snop  }
0x6: {  	_ = 	snop  }
0x7: {  	_ = 	snop  }
__scs_overlays_trampoline_lowered:
0x8: {  	[smem:$0x3FA9] =	sst s0  }
0x9: {  	[smem:$0x3FAA] =	sst s1  }
0xa: {  	[smem:$0x3FAB] =	sst s2  }
0xb: {  	[smem:$0x3FAC] =	sst s3  }
0xc: {  	[smem:$0x3FAD] =	sst s4  }
0xd: {  	[smem:$0x3FAE] =	sst s5  }
0xe: {  	[smem:$0x3FAF] =	sst s6  }
0xf: {  	[smem:$0x3FB0] =	sst s7  }
0x10: {  	[smem:$0x3FB1] =	sst s8  }
0x11: {  	[smem:$0x3FB2] =	sst s9;
	s0 =	simm.s32 @!p0 $0x0  }
0x12: {  	s1 =	sld [smem:$0x3F98];
	s0 =	simm.s32 @p0 $0x1  }
0x13: {  	[smem:$0x3FB3] =	sst s0;
	s0 =	simm.s32 @!p1 $0x0  }
0x14: {  	s2 =	sld [smem:$0x3F97];
	s0 =	simm.s32 @p1 $0x1  }
0x15: {  	[smem:$0x3FB4] =	sst s0;
	s0 =	simm.s32 @!p2 $0x0  }
0x16: {  	s3 =	sld [smem:$0x3FDB];
	s0 =	simm.s32 @p2 $0x1  }
0x17: {  	s4 =	simm.s32 $0x1BF5;
	[smem:$0x3FB6] =	sst s0  }
0x18: {  	s0 =	sld [smem:$0x3F99];
	_ =	swait.ge [sflag:s4], $0x0  }
0x19: {  	s7 =	sld [smem:$0x3F9A]  }
0x1a: {  	s8 =	sadd.s32 $0xFFFFE003, lr  }
0x1b: {  	s9 =	sadd.s32 $0xFFFFFEF7, lr;
	s5 =	simm.s32 $0xFFFFFFFF;
	p2 =	slt.u32 s8, $0xFFFFF086  }
0x1c: {  	p1 =	slt.u32 s9, $0xF7A;
	s5 =	simm.s32 @!p2 $0x0  }
0x1d: {  	s5 =	simm.s32 @p1 $0x1;
	p0 =	seq.s32 s7, s2  }
0x1e: {  	s7 =	smul.u32 @!p0 $0xF7A, s2;
	p2 =	seq.s32 @!p0 s5, $0x0  }
0x1f: {  	s9 =	smul.u32 $0xF7A, s1;
	s8 =	simm.s32 @!p0 $0x1BF5;
	p2 =	por !p2, p0  }
0x20: {  	[sflag:s8] =	ssyncset.s32 @!p0 $0xFFFFF086;
	s6 =	sadd.s32 @!p0 s3, s7;
	s7 =	simm.s32 @!p0 $0x108  }
0x21: {  	s3 =	sadd.s32 s3, s9;
	s6 =	sadd.s32 @!p0 $0x88, s6;
	s7 =	simm.s32 @p2 $0x1082  }
0x22: {  	[simem:s7], [sflag:s8] =	dma.local @!p0 [hbm:s6], $0xF7A  }
0x23: {  	s9 =	sor.u32 $0xD0000000, s2;
	s6 =	simm.s32 $0x108;
	_ =	swait.ge @!p0 [sflag:s8], $0x0  }
0x24: {  	s3 =	sadd.s32 $0x88, s3;
	s6 =	simm.s32 @!p1 $0x1082;
	[sflag:s4] =	ssyncset.s32 $0xFFFFF086  }
0x25: {  	[simem:s6], [sflag:s4] =	dma.local [hbm:s3], $0xF7A  }
0x26: {  	[smem:$0x3F9A] =	sst s1;
	(tag) =	ssettag s2;
	_ =	strace s9  }
0x27: {  	s1 =	sld [smem:$0x3FAA]  }
0x28: {  	s2 =	sld [smem:$0x3FAB]  }
0x29: {  	s4 =	sld [smem:$0x3FAD]  }
0x2a: {  	p0 =	seq.s32 s5, $0x0;
	s5 =	sld [smem:$0x3FAE]  }
0x2b: {  	s6 =	sld [smem:$0x3FAF]  }
0x2c: {  	s7 =	sld [smem:$0x3FB0]  }
0x2d: {  	s3 =	simm.s32 $0x108;
	s8 =	sld [smem:$0x3FB1]  }
0x2e: {  	s3 =	simm.s32 @!p0 $0x1082;
	s9 =	sld [smem:$0x3FB2]  }
0x2f: {  	lr =	sadd.s32 s0, s3;
	s0 =	sld [smem:$0x3FA9]  }
0x30: {  	s3 =	sld [smem:$0x3FAC]  }
0x31: {  	[smem:$0x3FB5] =	sst s10  }
0x32: {  	s10 =	sld [smem:$0x3FB3];
	_ =	sdelay $0x3  }
0x33: {  	p0 =	seq.s32 s10, $0x1;
	s10 =	sld [smem:$0x3FB5];
	_ =	sdelay $0x3  }
0x34: {  	[smem:$0x3FB5] =	sst s10  }
0x35: {  	s10 =	sld [smem:$0x3FB4];
	_ =	sdelay $0x3  }
0x36: {  	p1 =	seq.s32 s10, $0x1;
	s10 =	sld [smem:$0x3FB5];
	_ =	sdelay $0x3  }
0x37: {  	[smem:$0x3FB5] =	sst s10  }
0x38: {  	s10 =	sld [smem:$0x3FB6]  }
0x39: {  	_ = 	snop;
	(pc) =	sbr.ind lr, $3  }
0x3a: {  	_ = 	snop  }
0x3b: {  	_ = 	snop  }
0x3c: {  	p2 =	seq.s32 s10, $0x1;
	s10 =	sld [smem:$0x3FB5]  }
0x3d: {  	_ =	shalt  }
0x3e: {  	_ =	shalt  }
0x3f: {  	_ =	shalt  }
0x40: {  	_ =	shalt  }
0x41: {  	_ =	shalt  }
0x42: {  	_ =	shalt  }
0x43: {  	_ =	shalt  }
0x44: {  	_ =	shalt  }
0x45: {  	_ =	shalt  }
0x46: {  	_ =	shalt  }
0x47: {  	_ =	shalt  }
0x48: {  	_ =	shalt  }
0x49: {  	_ =	shalt  }
0x4a: {  	_ =	shalt  }
0x4b: {  	_ =	shalt  }
0x4c: {  	_ =	shalt  }
0x4d: {  	_ =	shalt  }
0x4e: {  	_ =	shalt  }
0x4f: {  	_ =	shalt  }
0x50: {  	_ =	shalt  }
0x51: {  	_ =	shalt  }
0x52: {  	_ =	shalt  }
0x53: {  	_ =	shalt  }
0x54: {  	_ =	shalt  }
0x55: {  	_ =	shalt  }
0x56: {  	_ =	shalt  }
0x57: {  	_ =	shalt  }
0x58: {  	_ =	shalt  }
0x59: {  	_ =	shalt  }
0x5a: {  	_ =	shalt  }
0x5b: {  	_ =	shalt  }
0x5c: {  	_ =	shalt  }
0x5d: {  	_ =	shalt  }
0x5e: {  	_ =	shalt  }
0x5f: {  	_ =	shalt  }
0x60: {  	_ =	shalt  }
0x61: {  	_ =	shalt  }
0x62: {  	_ =	shalt  }
0x63: {  	_ =	shalt  }
0x64: {  	_ =	shalt  }
0x65: {  	_ =	shalt  }
0x66: {  	_ =	shalt  }
0x67: {  	_ =	shalt  }
0x68: {  	_ =	shalt  }
0x69: {  	_ =	shalt  }
0x6a: {  	_ =	shalt  }
0x6b: {  	_ =	shalt  }
0x6c: {  	_ =	shalt  }
0x6d: {  	_ =	shalt  }
0x6e: {  	_ =	shalt  }
0x6f: {  	_ =	shalt  }
0x70: {  	_ =	shalt  }
0x71: {  	_ =	shalt  }
0x72: {  	_ =	shalt  }
0x73: {  	_ =	shalt  }
0x74: {  	_ =	shalt  }
0x75: {  	_ =	shalt  }
0x76: {  	_ =	shalt  }
0x77: {  	_ =	shalt  }
0x78: {  	_ =	shalt  }
0x79: {  	_ =	shalt  }
0x7a: {  	_ =	shalt  }
0x7b: {  	_ =	shalt  }
0x7c: {  	_ =	shalt  }
0x7d: {  	_ =	shalt  }
0x7e: {  	_ =	shalt  }
0x7f: {  	_ =	shalt  }
0x80: {  	_ =	shalt  }
0x81: {  	_ =	shalt  }
0x82: {  	_ =	shalt  }
0x83: {  	_ =	shalt  }
0x84: {  	_ =	shalt  }
0x85: {  	_ =	shalt  }
0x86: {  	_ =	shalt  }
0x87: {  	_ =	shalt  }
.Lfunc_end0:
.L_simem_size_0:
called_computation_lowered:
.L_overlay_start_0:
0x88: {  	s2 =	sld [smem:$0x3FD9]  }
0x89: {  	s3 =	sld [smem:$0x3FFE];
	_ =	sdelay $0x1  }
0x8a: {  	s1 =	srdreg.scid  }
0x8b: {  	s0 =	sand.u32 $0x1, s1  }
0x8c: {  	s17 =	sshll.u32 s0, $0xA;
	s2 =	sadd.s32 s3, s2  }
0x8d: {  	s2 =	sadd.s32 s2, s17  }
0x8e: {  	[smem:$0x3FC1] =	sst s2  }
0x8f: {  	_ = 	snop  }
0x90: {  	s2 =	sld [smem:$0x3FD0];
	(tm) =	ssettm $0x1  }
0x91: {  	s18 =	sld [smem:$0x3FFB];
	_ =	sdelay $0x3  }
0x92: {  	_ =	strace s18  }
0x93: {  	s3 =	sld [smem:$0x3FFC];
	_ =	sdelay $0x3  }
0x94: {  	_ =	strace s3  }
0x95: {  	s3 =	sld [smem:$0x3FFD];
	_ =	sdelay $0x3  }
0x96: {  	_ =	strace s3  }
0x97: {  	_ =	strace $0x8FFFFFFF  }
0x98: {  	s19 =	sld [smem:$0x3FDB];
	_ =	sdelay $0x1  }
0x99: {  	s4 =	simm.s32 $_scs_section_size  }
0x9a: {  	s5 =	simm.s32 $_size__tile_overlayer_lowered;
	s6 =	simm.s32 $_tile_overlayer_lowered  }
0x9b: {  	s22 =	simm.s32 $0x1BFF;
	s21 =	sshll.u32 s6, $0x1;
	s3 =	sadd.s32 s4, s19  }
0x9c: {  	s7 =	simm.s32 $0x0;
	s20 =	sshll.u32 s5, $0x1;
	s5 =	sadd.s32 s21, s3  }
0x9d: {  	[timem:s7], [sflag:s22] =	dma.local [hbm:s5], s20  }
0x9e: {  	_ =	swait.ge [sflag:s22], s20  }
0x9f: {  	s4 =	ssub.s32 $0x0, s20;
	[sflag:s22] =	ssyncset.done $0x0  }
0xa0: {  	[sflag:s22] =	ssyncadd.s32 s4;
	_ =	sdelay $0x1  }
0xa1: {  	s23 =	simm.s32 $0x1B8B  }
0xa2: {  	_ =	swait.ge [sflag:s23], $0x1  }
0xa3: {  	[sflag:s23] =	ssyncset.done $0x0  }
0xa4: {  	s25 =	simm.s32 $0x1B8E;
	s24 =	sld [smem:$0x3FFE];
	[sflag:s23] =	ssyncadd.s32 $0xFFFFFFFF  }
0xa5: {  	s26 =	simm.s32 $execute0_lowered;
	[smem:$0x3FD2] =	sst s25  }
0xa6: {  	s5 =	sshll.u32 s26, $0x1;
	_ =	strace $0x80000046;
	[dreg:$0x1] =	wrdreg $0xFFFFFFFF  }
0xa7: {  	s28 =	simm.s32 $_size_execute0_lowered;
	s3 =	sadd.s32 s3, s5;
	[dreg:$0x0] =	wrdreg $0x0  }
0xa8: {  	s5 =	sshll.u32 s28, $0x1;
	[dreg:$0x2] =	wrdreg s3  }
0xa9: {  	[dreg:$0x3] =	wrdreg s5  }
0xaa: {  	[dreg:$0x4] =	wrdreg $0xC0  }
0xab: {  	_ =	task [dreg:s7], $0x5FFFF  }
0xac: {  	[dreg:$0x1] =	wrdreg $0xFFFFFFFF  }
0xad: {  	[dreg:$0x0] =	wrdreg $0x60  }
0xae: {  	[dreg:$0x2] =	wrdreg s24  }
0xaf: {  	[dreg:$0x3] =	wrdreg s2  }
0xb0: {  	[dreg:$0x4] =	wrdreg $0x42000  }
0xb1: {  	[dreg:$0x5] =	wrdreg $0x9  }
0xb2: {  	_ =	task.clear_ibuf [dreg:s7], $0x6FFFF;
	_ =	strace $0x90000046  }
0xb3: {  	s29 =	simm.s32 $0x9;
	_ =	strace $0x80000048  }
0xb4: {  	_ =	swait.ge [sflag:s29], $0x1  }
0xb5: {  	[sflag:s29] =	ssyncadd.s32 $0xFFFFFFFF  }
0xb6: {  	_ =	strace $0x90000048  }
0xb7: {  	_ =	sfence  }
0xb8: {  	s30 =	sld [smem:$0x0];
	_ =	sdelay $0x2  }
0xb9: {  	s31 =	sshll.u32 s1, $0xD;
	s1 =	sshrl.u32 s1, $0x2  }
0xba: {  	s3 =	sand.u32 $0x4000, s31;
	s1 =	sadd.s32 s1, s30  }
0xbb: {  	s0 =	sor.u32 s3, s0;
	s1 =	sshll.u32 s1, $0x11  }
0xbc: {  	s0 =	sor.u32 s1, s0  }
0xbd: {  	s0 =	sadd.s32 $0x8F2B, s0  }
0xbe: {  	[sflag:s0] =	ssyncadd.remote.s32 $0x1  }
0xbf: {  	_ =	sfence.sel $0xFFFF  }
0xc0: {  	[dreg:$0x0] =	wrdreg $0xFFFFFFFF;
	(pc) =	sbr.abs _section_cstart, $3  }
0xc1: {  	[dreg:$0x1] =	wrdreg $0xFFFFFFFF  }
0xc2: {  	_ =	task.clear_ibuf [dreg:s7], $0x2FFFF;
	_ =	strace $0x9FFFFFFF  }
0xc3: {  	(tm) =	ssettm $0x7FFFFFFF  }
tec
execute0_lowered:
.L_overlay_start_1:
0x0: {  	(tag) =	ssettag $0x1  }
0x1: {  	s6 =	rddreg [dreg:$0x0]  }
0x2: {  	s9 =	rddreg [dreg:$0x1];
	s0 =	srdreg.scid  }
0x3: {  	s2 =	rddreg [dreg:$0x2];
	s1 =	stileid.u32;
	s3 =	simm.s32 $0x0  }
0x4: {  	s19 =	simm.s32 $0x100;
	s20 =	simm.s32 $0x180;
	s21 =	simm.s32 $0x200  }
0x5: {  	s22 =	simm.s32 $0x1;
	s23 =	simm.s32 $0x0;
	s8 =	smul.u32 $0x14000, s1  }
0x6: {  	s7 =	sand.u32 $0x1, s0;
	s0 =	rddreg [dreg:$0x3];
	s10 =	smul.u32 $0x9E0, s1  }
0x7: {  	[smem:$0x7FF] =	sst s3;
	s4 =	sadd.s32 $0x14600, s6;
	s12 =	smul.u32 $0x50000, s1  }
0x8: {  	s14 =	sshll.u32 s1, $0x6;
	s5 =	smul.u32 $0x140000, s7;
	_ =	strace $0x80000047  }
0x9: {  	s29 =	ssub.s32 $0x2, s7;
	s16 =	smul.u32 $0x4F0, s7;
	s11 =	sadd.s32 s10, s6  }
0xa: {  	s13 =	sshrl.u32 s29, $0x1;
	s12 =	sshrl.u32 s12, $0x2;
	s31 =	sadd.s32 s10, s9  }
0xb: {  	s5 =	sadd.s32 s8, s5;
	s13 =	ssub.s32 s29, s13;
	s12 =	sadd.s32 s12, s2  }
0xc: {  	s11 =	sadd.s32 s16, s11;
	s8 =	sshrl.u32 s5, $0x3;
	s5 =	sadd.s32 $0x2AC800, s6  }
0xd: {  	s30 =	sadd.s32 $0x4000, s12;
	s15 =	sadd.s32 $0x8000, s12;
	s17 =	sadd.s32 $0xC000, s12  }
0xe: {  	s18 =	sadd.s32 $0x10000, s12;
	s9 =	sadd.s32 $0xA00, s11;
	s10 =	sadd.s32 $0xA800, s11  }
0xf: {  	s11 =	sadd.s32 s16, s31;
	s12 =	sshrl.u32 s12, $0x3;
	s8 =	sadd.s32 s8, s6  }
0x10: {  	s6 =	sor.u32 $0x1C02, s14;
	s14 =	sshrl.u32 s30, $0x3;
	s15 =	sshrl.u32 s15, $0x3  }
0x11: {  	s16 =	sshrl.u32 s17, $0x3;
	s17 =	sshrl.u32 s18, $0x3;
	s18 =	simm.s32 $0x80  }
0x12: {  	s7 =	sadd.s32 $0x2AD000, s8;
	s8 =	smax.u32 s13, $0x1;
	s13 =	simm.s32 $0x2  }
.LBB2_1:
0x13: {  	[spmem:s12], [sflag:s6] =	dma.local [hbm:s5], $0x800  }
0x14: {  	_ =	swait.ge [sflag:s13], $0x800  }
0x15: {  	[sflag:s13] =	ssyncset.done $0x0  }
0x16: {  	[sflag:s13] =	ssyncadd.s32 $0xFFFFF800  }
0x17: {  	[spmem:s14], [sflag:s6] =	dma.local [hbm:s5], $0x800  }
0x18: {  	_ =	swait.ge [sflag:s13], $0x800  }
0x19: {  	[sflag:s13] =	ssyncset.done $0x0  }
0x1a: {  	[sflag:s13] =	ssyncadd.s32 $0xFFFFF800  }
0x1b: {  	[spmem:s15], [sflag:s6] =	dma.local [hbm:s5], $0x800  }
0x1c: {  	_ =	swait.ge [sflag:s13], $0x800  }
0x1d: {  	[sflag:s13] =	ssyncset.done $0x0  }
0x1e: {  	[sflag:s13] =	ssyncadd.s32 $0xFFFFF800  }
0x1f: {  	[spmem:s16], [sflag:s6] =	dma.local [hbm:s5], $0x800  }
0x20: {  	_ =	swait.ge [sflag:s13], $0x800  }
0x21: {  	[sflag:s13] =	ssyncset.done $0x0  }
0x22: {  	[sflag:s13] =	ssyncadd.s32 $0xFFFFF800  }
0x23: {  	[spmem:s17], [sflag:s6] =	dma.local [hbm:s5], $0x800  }
0x24: {  	_ =	swait.ge [sflag:s13], $0x800  }
0x25: {  	[sflag:s13] =	ssyncset.done $0x0  }
0x26: {  	[sflag:s13] =	ssyncadd.s32 $0xFFFFF800  }
0x27: {  	s24 =	sadd.s32 $0x0, s11;
	[bflag:$0x0] =	sbarrier.arrive $0xFFFF  }
0x28: {  	[tilespmem:s3], [sflag:$0x2] =	stream.linear.gather [hbm4b:s24+s3], $0x80, $0x38;
	[tilespmem:$0x18200] =	vst v63  }
0x29: {  	_ =	swait.ge [sflag:s13], $0x80  }
0x2a: {  	[sflag:s13] =	ssyncset.done $0x0  }
0x2b: {  	s30 =	sadd.s32 $0x0, s10;
	[sflag:s13] =	ssyncadd.s32 $0xFFFFFF80  }
0x2c: {  	[tilespmem:s18], [sflag:$0x2] =	stream.linear.gather [hbm4b:s30+s3], $0x80, $0x38;
	[tilespmem:$0x18200] =	vst v63  }
0x2d: {  	_ =	swait.ge [sflag:s13], $0x80  }
0x2e: {  	[sflag:s13] =	ssyncset.done $0x0  }
0x2f: {  	s31 =	sadd.s32 $0x0, s9;
	[sflag:s13] =	ssyncadd.s32 $0xFFFFFF80  }
0x30: {  	[tilespmem:s19], [sflag:$0x2] =	stream.linear.gather [hbm4b:s31+s3], $0x80, $0x38;
	[tilespmem:$0x18200] =	vst v63  }
0x31: {  	_ =	swait.ge [sflag:s13], $0x80  }
0x32: {  	[sflag:s13] =	ssyncset.done $0x0  }
0x33: {  	[sflag:s13] =	ssyncadd.s32 $0xFFFFFF80  }
0x34: {  	v1 =	vld [tilespmem:$0x30]  }
0x35: {  	v0 =	vld [tilespmem:$0x40]  }
0x36: {  	s24 =	simm.s32 $0x10;
	v2 =	vld [tilespmem:$0x60]  }
.LBB2_2:
0x37: {  	p0 =	sne.s32 s24, $0x4E0;
	v3 =	vld [tilespmem:$0x70];
	s25 =	smov.u32 s24;
	s24 =	sadd.s32 $0x10, s24  }
0x38: {  	v4 =	vld [tilespmem:$0x10]  }
0x39: {  	v5 =	vld [tilespmem:$0x20]  }
0x3a: {  	v6 =	vld [tilespmem:$0x160]  }
0x3b: {  	v7 =	vld [tilespmem:$0x130]  }
0x3c: {  	v8 =	vld [tilespmem:$0x120]  }
0x3d: {  	v9 =	vld [tilespmem:$0x170]  }
0x3e: {  	v10 =	vld [tilespmem:$0x110]  }
0x3f: {  	v11 =	vld [tilespmem:$0x140];
	v6 =	vmul.u32 $0x2710, v6  }
0x40: {  	v12 =	vld [tilespmem:$0x100];
	v7 =	vmul.u32 $0x2710, v7  }
0x41: {  	v8 =	vmul.u32 $0x2710, v8;
	v13 =	vld [tilespmem:$0x150];
	v2 =	vadd.s32 v2, v6  }
0x42: {  	v6 =	vld [tilespmem:$0x0];
	v1 =	vadd.s32 v1, v7;
	[tilespmem:$0x1E0] =	vst v2;
	v2 =	vmul.u32 $0x2710, v9  }
0x43: {  	v7 =	vmul.u32 $0x2710, v10;
	v5 =	vadd.s32 v5, v8;
	[tilespmem:$0x1B0] =	vst v1;
	v1 =	vld [tilespmem:$0x50]  }
0x44: {  	[tilespmem:$0x1A0] =	vst v5;
	v5 =	vmul.u32 $0x2710, v11;
	v2 =	vadd.s32 v3, v2  }
0x45: {  	v3 =	vmul.u32 $0x2710, v12;
	v4 =	vadd.s32 v4, v7;
	[tilespmem:$0x1F0] =	vst v2  }
0x46: {  	[tilespmem:$0x190] =	vst v4;
	v0 =	vadd.s32 v0, v5;
	v2 =	vmul.u32 $0x2710, v13  }
0x47: {  	v3 =	vadd.s32 v6, v3;
	[tilespmem:$0x1C0] =	vst v0  }
0x48: {  	[tilespmem:$0x180] =	vst v3;
	v0 =	vadd.s32 v1, v2  }
0x49: {  	[tilespmem:$0x1D0] =	vst v0  }
0x4a: {  	[tilespmem:s21], [sflag:$0x1] =	stream.indirect.gather [hbm4b:s4+s18], $0x80, s20, s18, $0xb8;
	[tilespmem:$0x18200] =	vst v63  }
0x4b: {  	_ =	swait.ge [sflag:s22], $0x4000  }
0x4c: {  	[sflag:s22] =	ssyncset.done $0x0  }
0x4d: {  	[sflag:s22] =	ssyncadd.s32 $0xFFFFC000  }
0x4e: {  	[spmem:s2] =	stream.indirect.scatter.add.f32 [tilespmem:s21], [sflag:$0x2], $0x80, s18, s18, $0xb8;
	[tilespmem:$0x18200] =	vst v63  }
0x4f: {  	_ =	swait.ge [sflag:s13], $0x4000  }
0x50: {  	[sflag:s13] =	ssyncset.done $0x0  }
0x51: {  	s26 =	sadd.s32 s25, s11;
	[sflag:s13] =	ssyncadd.s32 $0xFFFFC000  }
0x52: {  	[tilespmem:s3], [sflag:$0x2] =	stream.linear.gather [hbm4b:s26+s3], $0x80, $0x38;
	[tilespmem:$0x18200] =	vst v63  }
0x53: {  	_ =	swait.ge [sflag:s13], $0x80  }
0x54: {  	[sflag:s13] =	ssyncset.done $0x0  }
0x55: {  	s26 =	sadd.s32 s25, s10;
	[sflag:s13] =	ssyncadd.s32 $0xFFFFFF80  }
0x56: {  	[tilespmem:s18], [sflag:$0x2] =	stream.linear.gather [hbm4b:s26+s3], $0x80, $0x38;
	[tilespmem:$0x18200] =	vst v63  }
0x57: {  	_ =	swait.ge [sflag:s13], $0x80  }
0x58: {  	[sflag:s13] =	ssyncset.done $0x0  }
0x59: {  	s25 =	sadd.s32 s25, s9;
	[sflag:s13] =	ssyncadd.s32 $0xFFFFFF80  }
0x5a: {  	[tilespmem:s19], [sflag:$0x2] =	stream.linear.gather [hbm4b:s25+s3], $0x80, $0x38;
	[tilespmem:$0x18200] =	vst v63  }
0x5b: {  	_ =	swait.ge [sflag:s13], $0x80  }
.Ltmp0:
0x5c: {  	[sflag:s13] =	ssyncset.done $0x0;
	(pc) =	sbr.rel @p0 .LBB2_2-.Ltmp0, $4  }
0x5d: {  	[sflag:s13] =	ssyncadd.s32 $0xFFFFFF80  }
0x5e: {  	v1 =	vld [tilespmem:$0x30]  }
0x5f: {  	v0 =	vld [tilespmem:$0x40]  }
0x60: {  	v2 =	vld [tilespmem:$0x60]  }
0x61: {  	v4 =	vld [tilespmem:$0x10]  }
0x62: {  	v5 =	vld [tilespmem:$0x20]  }
0x63: {  	v6 =	vld [tilespmem:$0x160]  }
0x64: {  	v7 =	vld [tilespmem:$0x130]  }
0x65: {  	v8 =	vld [tilespmem:$0x120]  }
0x66: {  	v9 =	vld [tilespmem:$0x170]  }
0x67: {  	v10 =	vld [tilespmem:$0x110]  }
0x68: {  	v11 =	vld [tilespmem:$0x140]  }
0x69: {  	v13 =	vld [tilespmem:$0x150];
	v6 =	vmul.u32 $0x2710, v6  }
0x6a: {  	v12 =	vld [tilespmem:$0x100];
	v7 =	vmul.u32 $0x2710, v7  }
0x6b: {  	v59 =	vld [tilespmem:$0x50];
	v8 =	vmul.u32 $0x2710, v8;
	v2 =	vadd.s32 v2, v6  }
0x6c: {  	v3 =	vld [tilespmem:$0x70];
	v58 =	vmul.u32 $0x2710, v10;
	v1 =	vadd.s32 v1, v7;
	[tilespmem:$0x1E0] =	vst v2  }
0x6d: {  	v56 =	vld [tilespmem:$0x0];
	v60 =	vmul.u32 $0x2710, v11;
	v5 =	vadd.s32 v5, v8;
	[tilespmem:$0x1B0] =	vst v1  }
0x6e: {  	v62 =	vmul.u32 $0x2710, v13;
	v4 =	vadd.s32 v4, v58;
	[tilespmem:$0x1A0] =	vst v5  }
0x6f: {  	v57 =	vmul.u32 $0x2710, v9;
	v0 =	vadd.s32 v0, v60;
	[tilespmem:$0x190] =	vst v4  }
0x70: {  	v61 =	vmul.u32 $0x2710, v12;
	v63 =	vadd.s32 v59, v62;
	[tilespmem:$0x1C0] =	vst v0  }
0x71: {  	v2 =	vadd.s32 v3, v57;
	[tilespmem:$0x1D0] =	vst v63  }
0x72: {  	v3 =	vadd.s32 v56, v61;
	[tilespmem:$0x1F0] =	vst v2  }
0x73: {  	[tilespmem:$0x180] =	vst v3  }
0x74: {  	[tilespmem:s21], [sflag:$0x1] =	stream.indirect.gather [hbm4b:s4+s18], $0x80, s20, s18, $0xb8;
	[tilespmem:$0x18200] =	vst v63  }
0x75: {  	_ =	swait.ge [sflag:s22], $0x4000  }
0x76: {  	[sflag:s22] =	ssyncset.done $0x0  }
0x77: {  	[sflag:s22] =	ssyncadd.s32 $0xFFFFC000  }
0x78: {  	[spmem:s2] =	stream.indirect.scatter.add.f32 [tilespmem:s21], [sflag:$0x2], $0x80, s18, s18, $0xb8;
	[tilespmem:$0x18200] =	vst v63  }
0x79: {  	_ =	swait.ge [sflag:s13], $0x4000  }
0x7a: {  	s23 =	sadd.s32 $0x1, s23;
	[sflag:s13] =	ssyncset.done $0x0  }
0x7b: {  	p0 =	sne.s32 s23, s8;
	[sflag:s13] =	ssyncadd.s32 $0xFFFFC000  }
.Ltmp1:
0x7c: {  	[bflag:$0x0] =	sbarrier.arrive $0xFFFF;
	(pc) =	sbr.rel @p0 .LBB2_1-.Ltmp1, $4  }
0x7d: {  	[hbm:s7], [sflag:s6] =	dma.local [spmem:s12], $0x2800  }
0x7e: {  	_ =	swait.ge [sflag:s13], $0x2800  }
0x7f: {  	[sflag:s13] =	ssyncset.done $0x0  }
0x80: {  	[sflag:s13] =	ssyncadd.s32 $0xFFFFD800  }
0x81: {  	_ =	sfence.sel $0x180000  }
0x82: {  	[bflag:$0x0] =	sbarrier.arrive $0xFFFF  }
0x83: {  	p0 =	sne.s32 s1, $0x0;
	_ =	strace $0x90000047  }
0x84: {  	s0 =	sadd.s32 @!p0 $0x100000, s0;
	[bflag:$0x2] =	sbarrier.arrive $0xFFFF  }
0x85: {  	[sflag:s0] =	ssyncadd.tile.s32 @!p0 $0x1;
	_ =	shalt  }
.Lfunc_end2:
_tile_overlayer_lowered:
.L_overlay_start_2:
0x86: {  	(tag) =	ssettag $0x2  }
0x87: {  	s0 =	rddreg [dreg:$0x0];
	s2 =	stileid.u32  }
0x88: {  	s1 =	rddreg [dreg:$0x1];
	p0 =	sne.s32 s2, $0x0  }
0x89: {  	s3 =	rddreg [dreg:$0x2];
	[bflag:$0x3] =	sbarrier.arrive $0xFFFF;
	s2 =	simm.s32 @!p0 $0x1C02  }
0x8a: {  	[timem:s3], [sflag:s2] =	dma.local @!p0 [hbm:s0], s1  }
0x8b: {  	s0 =	simm.s32 @!p0 $0x2  }
0x8c: {  	_ =	swait.ge @!p0 [sflag:s0], s1  }
0x8d: {  	s1 =	ssub.s32 @!p0 $0x0, s1;
	[sflag:s0] =	ssyncset.done @!p0 $0x0  }
0x8e: {  	[sflag:s0] =	ssyncadd.s32 @!p0 s1  }
0x8f: {  	[bflag:$0x3] =	sbarrier.arrive $0xFFFF  }
0x90: {  	_ =	shalt  }

</sc_bundles>
